<compile_context>
chip_gen: v7x
topology: tpu7x:2x2x1
jax: 0.10.2.dev20260603
libtpu: 0.0.44.dev20260713+nightly
codegen_flags: <defaults>
</compile_context>

<pallas_src>
import functools

import jax
import jax.numpy as jnp
from jax import lax
from jax.experimental import pallas as pl
from jax.experimental.pallas import tpu as pltpu
from jax.experimental.pallas import tpu_sc as plsc

B = 16384
D = 32
NROWS = 1000000
LINE = 128
RPL = LINE // D
NLINES = 253952
L = 16
NC, NS = 2, 16
NW = NC * NS
BPW = B // NW
NCHUNK = 2
CH = BPW // NCHUNK
CGROUPS = CH // L

TC_K = 8192
TC_GRID = NLINES // TC_K

_MESH = plsc.VectorSubcoreMesh(core_axis_name="c", subcore_axis_name="s")


def _slot(ids):
    one = jnp.int32(1)
    zero = jnp.int32(0)
    return (jnp.where(ids >= NLINES, one, zero)
            + jnp.where(ids >= 2 * NLINES, one, zero)
            + jnp.where(ids >= 3 * NLINES, one, zero))


def _repack_body(x0, x1, x2, x3, y0, y1, y2, y3, out_u, out_v):
    out_u[...] = jnp.concatenate(
        [xc[...] for xc in (x0, x1, x2, x3)], axis=0).T
    out_v[...] = jnp.concatenate(
        [yc[...] for yc in (y0, y1, y2, y3)], axis=0).T


def _repack(utableT, vtableT):
    last_block = NROWS // TC_K

    def _imap(c, i):
        return (0, jnp.minimum(TC_GRID * c + i, last_block))

    in_specs = [
        pl.BlockSpec((D, TC_K), functools.partial(_imap, c))
        for c in range(RPL)
    ] * 2
    out_spec = pl.BlockSpec((TC_K, LINE), lambda i: (i, 0))
    return pl.pallas_call(
        _repack_body,
        grid=(TC_GRID,),
        in_specs=in_specs,
        out_specs=[out_spec, out_spec],
        out_shape=[jax.ShapeDtypeStruct((NLINES, LINE), jnp.float32)] * 2,
    )(utableT, utableT, utableT, utableT,
      vtableT, vtableT, vtableT, vtableT)


@functools.partial(
    pl.kernel,
    out_type=jax.ShapeDtypeStruct((B,), jnp.float32),
    mesh=_MESH,
    scratch_types=[
        pltpu.VMEM((BPW,), jnp.int32),
        pltpu.VMEM((BPW,), jnp.int32),
        pltpu.VMEM((CH,), jnp.int32),
        pltpu.VMEM((CH,), jnp.int32),
        pltpu.VMEM((CH, LINE), jnp.float32),
        pltpu.VMEM((CH, LINE), jnp.float32),
        pltpu.VMEM((BPW,), jnp.float32),
        pltpu.VMEM((BPW,), jnp.float32),
        pltpu.VMEM((BPW,), jnp.float32),
        pltpu.SemaphoreType.DMA,
        pltpu.SemaphoreType.DMA,
    ],
    compiler_params=pltpu.CompilerParams(needs_layout_passes=False,
                                         use_tc_tiling_on_sc=False),
)
def _mf_sc(uids_hbm, iids_hbm, ulines_hbm, vlines_hbm, ubias_hbm, ibias_hbm,
           out_hbm, idx_u, idx_i, lidx_u, lidx_i, ulines, vlines,
           ub_v, ib_v, out_v, sem, bsem):
    wid = lax.axis_index("s") * NC + lax.axis_index("c")
    base = wid * BPW

    pltpu.sync_copy(uids_hbm.at[pl.ds(base, BPW)], idx_u)
    pltpu.sync_copy(iids_hbm.at[pl.ds(base, BPW)], idx_i)

    cpb1 = pltpu.async_copy(ubias_hbm.at[idx_u], ub_v, bsem)
    cpb2 = pltpu.async_copy(ibias_hbm.at[idx_i], ib_v, bsem)

    iota16 = lax.iota(jnp.int32, L)

    for c in range(NCHUNK):
        cbase = c * CH

        def lines(g, carry):
            ids_u = idx_u[pl.ds(cbase + g * L, L)]
            ids_i = idx_i[pl.ds(cbase + g * L, L)]
            lidx_u[pl.ds(g * L, L)] = ids_u - _slot(ids_u) * NLINES
            lidx_i[pl.ds(g * L, L)] = ids_i - _slot(ids_i) * NLINES
            return carry

        lax.fori_loop(0, CGROUPS, lines, 0)

        cp1 = pltpu.async_copy(ulines_hbm.at[lidx_u], ulines, sem)
        cp2 = pltpu.async_copy(vlines_hbm.at[lidx_i], vlines, sem)
        cp1.wait()
        cp2.wait()
        if c == 0:
            cpb1.wait()
            cpb2.wait()

        def group(g, carry):
            gb = cbase + g * L
            ids_u = idx_u[pl.ds(gb, L)]
            ids_i = idx_i[pl.ds(gb, L)]
            sub_u = _slot(ids_u) * D
            sub_i = _slot(ids_i) * D
            evec = g * L + iota16
            acc = ub_v[pl.ds(gb, L)] + ib_v[pl.ds(gb, L)]
            for d in range(D):
                acc = acc + plsc.load_gather(ulines, [evec, sub_u + d]) * \
                    plsc.load_gather(vlines, [evec, sub_i + d])
            out_v[pl.ds(gb, L)] = acc
            return carry

        lax.fori_loop(0, CGROUPS, group, 0)

    pltpu.sync_copy(out_v, out_hbm.at[pl.ds(base, BPW)])


def kernel(user_ids, item_ids, user_emb, item_emb, user_bias, item_bias):
    ulines, vlines = _repack(user_emb.T, item_emb.T)
    return _mf_sc(user_ids.astype(jnp.int32), item_ids.astype(jnp.int32),
                  ulines, vlines,
                  user_bias.reshape(-1), item_bias.reshape(-1))

# --- scband reference (transcript-rebuilt; emitter-appended) ---
"""Pipeline reference for scband-mfrecommender-65377992180242 (READ-ONLY COPY).

The authoritative reference and input builder live on the scoring server;
editing this copy changes nothing except your own understanding.
"""

import jax, jax.numpy as jnp
import numpy as np

NUM_USERS = 1000000
NUM_ITEMS = 1000000
EMBED_DIM = 32
BATCH = 16384


def setup_inputs(seed: int = 0) -> dict:
    key = jax.random.key(seed)
    k1, k2, k3, k4, k5, k6 = jax.random.split(key, 6)
    user_ids = jax.random.randint(k1, (BATCH,), 0, NUM_USERS, dtype=jnp.int64 if jax.config.jax_enable_x64 else jnp.int32)
    item_ids = jax.random.randint(k2, (BATCH,), 0, NUM_ITEMS, dtype=jnp.int64 if jax.config.jax_enable_x64 else jnp.int32)
    user_emb = jax.random.normal(k3, (NUM_USERS, EMBED_DIM), dtype=jnp.float32)
    item_emb = jax.random.normal(k4, (NUM_ITEMS, EMBED_DIM), dtype=jnp.float32)
    user_bias = jax.random.normal(k5, (NUM_USERS, 1), dtype=jnp.float32)
    item_bias = jax.random.normal(k6, (NUM_ITEMS, 1), dtype=jnp.float32)
    return {
        "user_ids": user_ids,
        "item_ids": item_ids,
        "user_emb": user_emb,
        "item_emb": item_emb,
        "user_bias": user_bias,
        "item_bias": item_bias,
    }


def reference(user_ids, item_ids, user_emb, item_emb, user_bias, item_bias):
    # Embedding lookups (gathers)
    u = jnp.take(user_emb, user_ids, axis=0)  # [B, D]
    v = jnp.take(item_emb, item_ids, axis=0)  # [B, D]
    # Dropout is identity at inference time (eval mode)
    dot = (u * v).sum(axis=1)  # [B]
    ub = jnp.take(user_bias, user_ids, axis=0).squeeze(-1)  # [B]
    ib = jnp.take(item_bias, item_ids, axis=0).squeeze(-1)  # [B]
    return dot + ub + ib

if __name__ == "__main__":
    import jax
    _d = setup_inputs()
    print(jax.jit(kernel)(*tuple(_d.values())))

</pallas_src>

<mosaic_0001>
#map = affine_map<(d0, d1) -> (0)>
#map1 = affine_map<(d0, d1) -> (0, 0)>
module attributes {stable_mosaic.version = 14 : i64} {
  func.func @_mf_sc(%arg0: i32, %arg1: i32, %arg2: memref<16384xi32, #tpu.memory_space<hbm>>, %arg3: memref<16384xi32, #tpu.memory_space<hbm>>, %arg4: memref<253952x128xf32, #tpu.memory_space<hbm>>, %arg5: memref<253952x128xf32, #tpu.memory_space<hbm>>, %arg6: memref<1000000xf32, #tpu.memory_space<hbm>>, %arg7: memref<1000000xf32, #tpu.memory_space<hbm>>, %arg8: memref<16384xf32, #tpu.memory_space<hbm>>, %arg9: memref<512xi32, #tpu.memory_space<vmem>>, %arg10: memref<512xi32, #tpu.memory_space<vmem>>, %arg11: memref<256xi32, #tpu.memory_space<vmem>>, %arg12: memref<256xi32, #tpu.memory_space<vmem>>, %arg13: memref<256x128xf32, #tpu.memory_space<vmem>>, %arg14: memref<256x128xf32, #tpu.memory_space<vmem>>, %arg15: memref<512xf32, #tpu.memory_space<vmem>>, %arg16: memref<512xf32, #tpu.memory_space<vmem>>, %arg17: memref<512xf32, #tpu.memory_space<vmem>>, %arg18: memref<!tpu.dma_semaphore, #tpu.memory_space<semaphore_mem>>, %arg19: memref<!tpu.dma_semaphore, #tpu.memory_space<semaphore_mem>>) attributes {dimension_semantics = [#tpu.dimension_semantics<core_parallel>, #tpu.dimension_semantics<subcore_parallel>], iteration_bounds = array<i64: 2, 16>, scalar_prefetch = 0 : i64, scratch_operands = 11 : i64, tpu.core_type = #tpu.core_type<sc_vector_subcore>, window_params = [{transform_indices = #map}, {transform_indices = #map}, {transform_indices = #map1}, {transform_indices = #map1}, {transform_indices = #map}, {transform_indices = #map}, {transform_indices = #map}]} {
    %mul3A = arith.constant 2 : i32
    %mul3A_0 = arith.muli %arg1, %mul3A : i32
    %add3A = arith.addi %mul3A_0, %arg0 : i32
    %mul3A_1 = arith.constant 512 : i32
    %mul3A_2 = arith.muli %add3A, %mul3A_1 : i32
    "tpu.region"() ({
      %run_scoped3A = tpu.sem_alloc : memref<!tpu.dma_semaphore, #tpu.memory_space<semaphore_mem>>
      %dma_start3A_56 = tpu.memref_slice %arg2[%mul3A_2] : memref<16384xi32, #tpu.memory_space<hbm>> -> memref<512xi32, #tpu.memory_space<hbm>>
      %dma_start3A_57 = tpu.memref_slice %arg2[%mul3A_2] : memref<16384xi32, #tpu.memory_space<hbm>> -> memref<512xi32, #tpu.memory_space<hbm>>
      tpu.enqueue_dma source(%dma_start3A_57 : memref<512xi32, #tpu.memory_space<hbm>>) target(%arg9 : memref<512xi32, #tpu.memory_space<vmem>>) target_semaphore(%run_scoped3A : memref<!tpu.dma_semaphore, #tpu.memory_space<semaphore_mem>>)
      %dma_wait3A_58 = tpu.memref_slice %arg2[%mul3A_2] : memref<16384xi32, #tpu.memory_space<hbm>> -> memref<512xi32, #tpu.memory_space<hbm>>
      %dma_wait3A_59 = tpu.memref_slice %arg2[%mul3A_2] : memref<16384xi32, #tpu.memory_space<hbm>> -> memref<512xi32, #tpu.memory_space<hbm>>
      tpu.wait_dma2 semaphore(%run_scoped3A : memref<!tpu.dma_semaphore, #tpu.memory_space<semaphore_mem>>) src(%dma_wait3A_59 : memref<512xi32, #tpu.memory_space<hbm>>) dst(%arg9 : memref<512xi32, #tpu.memory_space<vmem>>)
      tpu.yield
    }) : () -> ()
    "tpu.region"() ({
      %run_scoped3A = tpu.sem_alloc : memref<!tpu.dma_semaphore, #tpu.memory_space<semaphore_mem>>
      %dma_start3A_56 = tpu.memref_slice %arg3[%mul3A_2] : memref<16384xi32, #tpu.memory_space<hbm>> -> memref<512xi32, #tpu.memory_space<hbm>>
      %dma_start3A_57 = tpu.memref_slice %arg3[%mul3A_2] : memref<16384xi32, #tpu.memory_space<hbm>> -> memref<512xi32, #tpu.memory_space<hbm>>
      tpu.enqueue_dma source(%dma_start3A_57 : memref<512xi32, #tpu.memory_space<hbm>>) target(%arg10 : memref<512xi32, #tpu.memory_space<vmem>>) target_semaphore(%run_scoped3A : memref<!tpu.dma_semaphore, #tpu.memory_space<semaphore_mem>>)
      %dma_wait3A_58 = tpu.memref_slice %arg3[%mul3A_2] : memref<16384xi32, #tpu.memory_space<hbm>> -> memref<512xi32, #tpu.memory_space<hbm>>
      %dma_wait3A_59 = tpu.memref_slice %arg3[%mul3A_2] : memref<16384xi32, #tpu.memory_space<hbm>> -> memref<512xi32, #tpu.memory_space<hbm>>
      tpu.wait_dma2 semaphore(%run_scoped3A : memref<!tpu.dma_semaphore, #tpu.memory_space<semaphore_mem>>) src(%dma_wait3A_59 : memref<512xi32, #tpu.memory_space<hbm>>) dst(%arg10 : memref<512xi32, #tpu.memory_space<vmem>>)
      tpu.yield
    }) : () -> ()
    %dma_start3A = arith.constant 0 : i32
    %dma_start3A_3 = tpu.memref_slice %arg6[%dma_start3A] : memref<1000000xf32, #tpu.memory_space<hbm>> -> memref<1000000xf32, #tpu.memory_space<hbm>>
    tpu.enqueue_indirect_dma source(%dma_start3A_3 : memref<1000000xf32, #tpu.memory_space<hbm>>) target(%arg15 : memref<512xf32, #tpu.memory_space<vmem>>) offsets(%arg9 : memref<512xi32, #tpu.memory_space<vmem>>) semaphore(%arg19 : memref<!tpu.dma_semaphore, #tpu.memory_space<semaphore_mem>>)
    %dma_start3A_4 = arith.constant 0 : i32
    %dma_start3A_5 = tpu.memref_slice %arg7[%dma_start3A_4] : memref<1000000xf32, #tpu.memory_space<hbm>> -> memref<1000000xf32, #tpu.memory_space<hbm>>
    tpu.enqueue_indirect_dma source(%dma_start3A_5 : memref<1000000xf32, #tpu.memory_space<hbm>>) target(%arg16 : memref<512xf32, #tpu.memory_space<vmem>>) offsets(%arg10 : memref<512xi32, #tpu.memory_space<vmem>>) semaphore(%arg19 : memref<!tpu.dma_semaphore, #tpu.memory_space<semaphore_mem>>)
    %iota3A = tpu.iota {dimensions = array<i32: 0>} : vector<16xi32>
    %scan3A = arith.constant 0 : i32
    %scan3A_6 = arith.constant 0 : i32
    %scan3A_7 = arith.constant 16 : i32
    %scan3A_8 = arith.addi %scan3A_6, %scan3A_7 : i32
    %scan3A_9 = arith.constant 1 : i32
    scf.for %scan3A_56 = %scan3A_6 to %scan3A_8 step %scan3A_9  : i32 {
      %mul3A_57 = arith.constant 16 : i32
      %mul3A_58 = arith.muli %scan3A_56, %mul3A_57 : i32
      %add3A_59 = arith.constant 0 : i32
      %add3A_60 = arith.addi %add3A_59, %mul3A_58 : i32
      %get3A = arith.index_cast %add3A_60 : i32 to index
      %get3A_61 = tpu.vector_load %arg9[%get3A] {strides = array<i32>} : memref<512xi32, #tpu.memory_space<vmem>>, vector<16xi32>,
      %mul3A_62 = arith.constant 16 : i32
      %mul3A_63 = arith.muli %scan3A_56, %mul3A_62 : i32
      %add3A_64 = arith.constant 0 : i32
      %add3A_65 = arith.addi %add3A_64, %mul3A_63 : i32
      %get3A_66 = arith.index_cast %add3A_65 : i32 to index
      %get3A_67 = tpu.vector_load %arg10[%get3A_66] {strides = array<i32>} : memref<512xi32, #tpu.memory_space<vmem>>, vector<16xi32>,
      %ge3A = arith.constant 253952 : i32
      %ge3A_68 = vector.broadcast %ge3A : i32 to vector<16xi32>
      %ge3A_69 = arith.cmpi sge, %get3A_61, %ge3A_68 : vector<16xi32>
      %jit3A = arith.constant 1 : i32
      %jit3A_70 = arith.constant 0 : i32
      %broadcast_in_dim3A = vector.broadcast %jit3A : i32 to vector<16xi32>
      %broadcast_in_dim3A_71 = vector.broadcast %jit3A_70 : i32 to vector<16xi32>
      %select_n3A = arith.select %ge3A_69, %broadcast_in_dim3A, %broadcast_in_dim3A_71 : vector<16xi1>, vector<16xi32>
      %ge3A_72 = arith.constant 507904 : i32
      %ge3A_73 = vector.broadcast %ge3A_72 : i32 to vector<16xi32>
      %ge3A_74 = arith.cmpi sge, %get3A_61, %ge3A_73 : vector<16xi32>
      %jit3A_75 = arith.constant 1 : i32
      %jit3A_76 = arith.constant 0 : i32
      %broadcast_in_dim3A_77 = vector.broadcast %jit3A_75 : i32 to vector<16xi32>
      %broadcast_in_dim3A_78 = vector.broadcast %jit3A_76 : i32 to vector<16xi32>
      %select_n3A_79 = arith.select %ge3A_74, %broadcast_in_dim3A_77, %broadcast_in_dim3A_78 : vector<16xi1>, vector<16xi32>
      %add3A_80 = arith.addi %select_n3A, %select_n3A_79 : vector<16xi32>
      %ge3A_81 = arith.constant 761856 : i32
      %ge3A_82 = vector.broadcast %ge3A_81 : i32 to vector<16xi32>
      %ge3A_83 = arith.cmpi sge, %get3A_61, %ge3A_82 : vector<16xi32>
      %jit3A_84 = arith.constant 1 : i32
      %jit3A_85 = arith.constant 0 : i32
      %broadcast_in_dim3A_86 = vector.broadcast %jit3A_84 : i32 to vector<16xi32>
      %broadcast_in_dim3A_87 = vector.broadcast %jit3A_85 : i32 to vector<16xi32>
      %select_n3A_88 = arith.select %ge3A_83, %broadcast_in_dim3A_86, %broadcast_in_dim3A_87 : vector<16xi1>, vector<16xi32>
      %add3A_89 = arith.addi %add3A_80, %select_n3A_88 : vector<16xi32>
      %mul3A_90 = arith.constant 253952 : i32
      %mul3A_91 = vector.broadcast %mul3A_90 : i32 to vector<16xi32>
      %mul3A_92 = arith.muli %add3A_89, %mul3A_91 : vector<16xi32>
      %sub3A = arith.subi %get3A_61, %mul3A_92 : vector<16xi32>
      %mul3A_93 = arith.constant 16 : i32
      %mul3A_94 = arith.muli %scan3A_56, %mul3A_93 : i32
      %swap3A = arith.index_cast %mul3A_94 : i32 to index
      %swap3A_95 = tpu.vector_load %arg11[%swap3A] {strides = array<i32>} : memref<256xi32, #tpu.memory_space<vmem>>, vector<16xi32>,
      tpu.vector_store %arg11[%swap3A], %sub3A {strides = array<i32>} : memref<256xi32, #tpu.memory_space<vmem>>, vector<16xi32>,
      %ge3A_96 = arith.constant 253952 : i32
      %ge3A_97 = vector.broadcast %ge3A_96 : i32 to vector<16xi32>
      %ge3A_98 = arith.cmpi sge, %get3A_67, %ge3A_97 : vector<16xi32>
      %jit3A_99 = arith.constant 1 : i32
      %jit3A_100 = arith.constant 0 : i32
      %broadcast_in_dim3A_101 = vector.broadcast %jit3A_99 : i32 to vector<16xi32>
      %broadcast_in_dim3A_102 = vector.broadcast %jit3A_100 : i32 to vector<16xi32>
      %select_n3A_103 = arith.select %ge3A_98, %broadcast_in_dim3A_101, %broadcast_in_dim3A_102 : vector<16xi1>, vector<16xi32>
      %ge3A_104 = arith.constant 507904 : i32
      %ge3A_105 = vector.broadcast %ge3A_104 : i32 to vector<16xi32>
      %ge3A_106 = arith.cmpi sge, %get3A_67, %ge3A_105 : vector<16xi32>
      %jit3A_107 = arith.constant 1 : i32
      %jit3A_108 = arith.constant 0 : i32
      %broadcast_in_dim3A_109 = vector.broadcast %jit3A_107 : i32 to vector<16xi32>
      %broadcast_in_dim3A_110 = vector.broadcast %jit3A_108 : i32 to vector<16xi32>
      %select_n3A_111 = arith.select %ge3A_106, %broadcast_in_dim3A_109, %broadcast_in_dim3A_110 : vector<16xi1>, vector<16xi32>
      %add3A_112 = arith.addi %select_n3A_103, %select_n3A_111 : vector<16xi32>
      %ge3A_113 = arith.constant 761856 : i32
      %ge3A_114 = vector.broadcast %ge3A_113 : i32 to vector<16xi32>
      %ge3A_115 = arith.cmpi sge, %get3A_67, %ge3A_114 : vector<16xi32>
      %jit3A_116 = arith.constant 1 : i32
      %jit3A_117 = arith.constant 0 : i32
      %broadcast_in_dim3A_118 = vector.broadcast %jit3A_116 : i32 to vector<16xi32>
      %broadcast_in_dim3A_119 = vector.broadcast %jit3A_117 : i32 to vector<16xi32>
      %select_n3A_120 = arith.select %ge3A_115, %broadcast_in_dim3A_118, %broadcast_in_dim3A_119 : vector<16xi1>, vector<16xi32>
      %add3A_121 = arith.addi %add3A_112, %select_n3A_120 : vector<16xi32>
      %mul3A_122 = arith.constant 253952 : i32
      %mul3A_123 = vector.broadcast %mul3A_122 : i32 to vector<16xi32>
      %mul3A_124 = arith.muli %add3A_121, %mul3A_123 : vector<16xi32>
      %sub3A_125 = arith.subi %get3A_67, %mul3A_124 : vector<16xi32>
      %mul3A_126 = arith.constant 16 : i32
      %mul3A_127 = arith.muli %scan3A_56, %mul3A_126 : i32
      %swap3A_128 = arith.index_cast %mul3A_127 : i32 to index
      %swap3A_129 = tpu.vector_load %arg12[%swap3A_128] {strides = array<i32>} : memref<256xi32, #tpu.memory_space<vmem>>, vector<16xi32>,
      tpu.vector_store %arg12[%swap3A_128], %sub3A_125 {strides = array<i32>} : memref<256xi32, #tpu.memory_space<vmem>>, vector<16xi32>,
    }
    %scan3A_10 = arith.constant 16 : i32
    %dma_start3A_11 = arith.constant 0 : i32
    %dma_start3A_12 = arith.constant 0 : i32
    %dma_start3A_13 = tpu.memref_slice %arg4[%dma_start3A_11, %dma_start3A_12] : memref<253952x128xf32, #tpu.memory_space<hbm>> -> memref<253952x128xf32, #tpu.memory_space<hbm>>
    tpu.enqueue_indirect_dma source(%dma_start3A_13 : memref<253952x128xf32, #tpu.memory_space<hbm>>) target(%arg13 : memref<256x128xf32, #tpu.memory_space<vmem>>) offsets(%arg11 : memref<256xi32, #tpu.memory_space<vmem>>) semaphore(%arg18 : memref<!tpu.dma_semaphore, #tpu.memory_space<semaphore_mem>>)
    %dma_start3A_14 = arith.constant 0 : i32
    %dma_start3A_15 = arith.constant 0 : i32
    %dma_start3A_16 = tpu.memref_slice %arg5[%dma_start3A_14, %dma_start3A_15] : memref<253952x128xf32, #tpu.memory_space<hbm>> -> memref<253952x128xf32, #tpu.memory_space<hbm>>
    tpu.enqueue_indirect_dma source(%dma_start3A_16 : memref<253952x128xf32, #tpu.memory_space<hbm>>) target(%arg14 : memref<256x128xf32, #tpu.memory_space<vmem>>) offsets(%arg12 : memref<256xi32, #tpu.memory_space<vmem>>) semaphore(%arg18 : memref<!tpu.dma_semaphore, #tpu.memory_space<semaphore_mem>>)
    %dma_wait3A = arith.constant 0 : i32
    %dma_wait3A_17 = arith.constant 0 : i32
    %dma_wait3A_18 = tpu.memref_slice %arg4[%dma_wait3A, %dma_wait3A_17] : memref<253952x128xf32, #tpu.memory_space<hbm>> -> memref<253952x128xf32, #tpu.memory_space<hbm>>
    tpu.wait_indirect_dma semaphore(%arg18 : memref<!tpu.dma_semaphore, #tpu.memory_space<semaphore_mem>>) src(%dma_wait3A_18 : memref<253952x128xf32, #tpu.memory_space<hbm>>) dst(%arg13 : memref<256x128xf32, #tpu.memory_space<vmem>>)
    %dma_wait3A_19 = arith.constant 0 : i32
    %dma_wait3A_20 = arith.constant 0 : i32
    %dma_wait3A_21 = tpu.memref_slice %arg5[%dma_wait3A_19, %dma_wait3A_20] : memref<253952x128xf32, #tpu.memory_space<hbm>> -> memref<253952x128xf32, #tpu.memory_space<hbm>>
    tpu.wait_indirect_dma semaphore(%arg18 : memref<!tpu.dma_semaphore, #tpu.memory_space<semaphore_mem>>) src(%dma_wait3A_21 : memref<253952x128xf32, #tpu.memory_space<hbm>>) dst(%arg14 : memref<256x128xf32, #tpu.memory_space<vmem>>)
    %dma_wait3A_22 = arith.constant 0 : i32
    %dma_wait3A_23 = tpu.memref_slice %arg6[%dma_wait3A_22] : memref<1000000xf32, #tpu.memory_space<hbm>> -> memref<1000000xf32, #tpu.memory_space<hbm>>
    tpu.wait_indirect_dma semaphore(%arg19 : memref<!tpu.dma_semaphore, #tpu.memory_space<semaphore_mem>>) src(%dma_wait3A_23 : memref<1000000xf32, #tpu.memory_space<hbm>>) dst(%arg15 : memref<512xf32, #tpu.memory_space<vmem>>)
    %dma_wait3A_24 = arith.constant 0 : i32
    %dma_wait3A_25 = tpu.memref_slice %arg7[%dma_wait3A_24] : memref<1000000xf32, #tpu.memory_space<hbm>> -> memref<1000000xf32, #tpu.memory_space<hbm>>
    tpu.wait_indirect_dma semaphore(%arg19 : memref<!tpu.dma_semaphore, #tpu.memory_space<semaphore_mem>>) src(%dma_wait3A_25 : memref<1000000xf32, #tpu.memory_space<hbm>>) dst(%arg16 : memref<512xf32, #tpu.memory_space<vmem>>)
    %scan3A_26 = arith.constant 0 : i32
    %scan3A_27 = arith.constant 0 : i32
    %scan3A_28 = arith.constant 16 : i32
    %scan3A_29 = arith.addi %scan3A_27, %scan3A_28 : i32
    %scan3A_30 = arith.constant 1 : i32
    scf.for %scan3A_56 = %scan3A_27 to %scan3A_29 step %scan3A_30  : i32 {
      %mul3A_57 = arith.constant 16 : i32
      %mul3A_58 = arith.muli %scan3A_56, %mul3A_57 : i32
      %add3A_59 = arith.constant 0 : i32
      %add3A_60 = arith.addi %add3A_59, %mul3A_58 : i32
      %get3A = arith.index_cast %add3A_60 : i32 to index
      %get3A_61 = tpu.vector_load %arg9[%get3A] {strides = array<i32>} : memref<512xi32, #tpu.memory_space<vmem>>, vector<16xi32>,
      %get3A_62 = arith.index_cast %add3A_60 : i32 to index
      %get3A_63 = tpu.vector_load %arg10[%get3A_62] {strides = array<i32>} : memref<512xi32, #tpu.memory_space<vmem>>, vector<16xi32>,
      %ge3A = arith.constant 253952 : i32
      %ge3A_64 = vector.broadcast %ge3A : i32 to vector<16xi32>
      %ge3A_65 = arith.cmpi sge, %get3A_61, %ge3A_64 : vector<16xi32>
      %jit3A = arith.constant 1 : i32
      %jit3A_66 = arith.constant 0 : i32
      %broadcast_in_dim3A = vector.broadcast %jit3A : i32 to vector<16xi32>
      %broadcast_in_dim3A_67 = vector.broadcast %jit3A_66 : i32 to vector<16xi32>
      %select_n3A = arith.select %ge3A_65, %broadcast_in_dim3A, %broadcast_in_dim3A_67 : vector<16xi1>, vector<16xi32>
      %ge3A_68 = arith.constant 507904 : i32
      %ge3A_69 = vector.broadcast %ge3A_68 : i32 to vector<16xi32>
      %ge3A_70 = arith.cmpi sge, %get3A_61, %ge3A_69 : vector<16xi32>
      %jit3A_71 = arith.constant 1 : i32
      %jit3A_72 = arith.constant 0 : i32
      %broadcast_in_dim3A_73 = vector.broadcast %jit3A_71 : i32 to vector<16xi32>
      %broadcast_in_dim3A_74 = vector.broadcast %jit3A_72 : i32 to vector<16xi32>
      %select_n3A_75 = arith.select %ge3A_70, %broadcast_in_dim3A_73, %broadcast_in_dim3A_74 : vector<16xi1>, vector<16xi32>
      %add3A_76 = arith.addi %select_n3A, %select_n3A_75 : vector<16xi32>
      %ge3A_77 = arith.constant 761856 : i32
      %ge3A_78 = vector.broadcast %ge3A_77 : i32 to vector<16xi32>
      %ge3A_79 = arith.cmpi sge, %get3A_61, %ge3A_78 : vector<16xi32>
      %jit3A_80 = arith.constant 1 : i32
      %jit3A_81 = arith.constant 0 : i32
      %broadcast_in_dim3A_82 = vector.broadcast %jit3A_80 : i32 to vector<16xi32>
      %broadcast_in_dim3A_83 = vector.broadcast %jit3A_81 : i32 to vector<16xi32>
      %select_n3A_84 = arith.select %ge3A_79, %broadcast_in_dim3A_82, %broadcast_in_dim3A_83 : vector<16xi1>, vector<16xi32>
      %add3A_85 = arith.addi %add3A_76, %select_n3A_84 : vector<16xi32>
      %mul3A_86 = arith.constant 32 : i32
      %mul3A_87 = vector.broadcast %mul3A_86 : i32 to vector<16xi32>
      %mul3A_88 = arith.muli %add3A_85, %mul3A_87 : vector<16xi32>
      %ge3A_89 = arith.constant 253952 : i32
      %ge3A_90 = vector.broadcast %ge3A_89 : i32 to vector<16xi32>
      %ge3A_91 = arith.cmpi sge, %get3A_63, %ge3A_90 : vector<16xi32>
      %jit3A_92 = arith.constant 1 : i32
      %jit3A_93 = arith.constant 0 : i32
      %broadcast_in_dim3A_94 = vector.broadcast %jit3A_92 : i32 to vector<16xi32>
      %broadcast_in_dim3A_95 = vector.broadcast %jit3A_93 : i32 to vector<16xi32>
      %select_n3A_96 = arith.select %ge3A_91, %broadcast_in_dim3A_94, %broadcast_in_dim3A_95 : vector<16xi1>, vector<16xi32>
      %ge3A_97 = arith.constant 507904 : i32
      %ge3A_98 = vector.broadcast %ge3A_97 : i32 to vector<16xi32>
      %ge3A_99 = arith.cmpi sge, %get3A_63, %ge3A_98 : vector<16xi32>
      %jit3A_100 = arith.constant 1 : i32
      %jit3A_101 = arith.constant 0 : i32
      %broadcast_in_dim3A_102 = vector.broadcast %jit3A_100 : i32 to vector<16xi32>
      %broadcast_in_dim3A_103 = vector.broadcast %jit3A_101 : i32 to vector<16xi32>
      %select_n3A_104 = arith.select %ge3A_99, %broadcast_in_dim3A_102, %broadcast_in_dim3A_103 : vector<16xi1>, vector<16xi32>
      %add3A_105 = arith.addi %select_n3A_96, %select_n3A_104 : vector<16xi32>
      %ge3A_106 = arith.constant 761856 : i32
      %ge3A_107 = vector.broadcast %ge3A_106 : i32 to vector<16xi32>
      %ge3A_108 = arith.cmpi sge, %get3A_63, %ge3A_107 : vector<16xi32>
      %jit3A_109 = arith.constant 1 : i32
      %jit3A_110 = arith.constant 0 : i32
      %broadcast_in_dim3A_111 = vector.broadcast %jit3A_109 : i32 to vector<16xi32>
      %broadcast_in_dim3A_112 = vector.broadcast %jit3A_110 : i32 to vector<16xi32>
      %select_n3A_113 = arith.select %ge3A_108, %broadcast_in_dim3A_111, %broadcast_in_dim3A_112 : vector<16xi1>, vector<16xi32>
      %add3A_114 = arith.addi %add3A_105, %select_n3A_113 : vector<16xi32>
      %mul3A_115 = arith.constant 32 : i32
      %mul3A_116 = vector.broadcast %mul3A_115 : i32 to vector<16xi32>
      %mul3A_117 = arith.muli %add3A_114, %mul3A_116 : vector<16xi32>
      %mul3A_118 = arith.constant 16 : i32
      %mul3A_119 = arith.muli %scan3A_56, %mul3A_118 : i32
      %add3A_120 = vector.broadcast %mul3A_119 : i32 to vector<16xi32>
      %add3A_121 = arith.addi %add3A_120, %iota3A : vector<16xi32>
      %get3A_122 = arith.index_cast %add3A_60 : i32 to index
      %get3A_123 = tpu.vector_load %arg15[%get3A_122] {strides = array<i32>} : memref<512xf32, #tpu.memory_space<vmem>>, vector<16xf32>,
      %get3A_124 = arith.index_cast %add3A_60 : i32 to index
      %get3A_125 = tpu.vector_load %arg16[%get3A_124] {strides = array<i32>} : memref<512xf32, #tpu.memory_space<vmem>>, vector<16xf32>,
      %add3A_126 = arith.addf %get3A_123, %get3A_125 : vector<16xf32>
      %add3A_127 = arith.constant 0 : i32
      %add3A_128 = vector.broadcast %add3A_127 : i32 to vector<16xi32>
      %add3A_129 = arith.addi %mul3A_88, %add3A_128 : vector<16xi32>
      %gather3A = tpu.vector_load_idx %arg13[%add3A_121, %add3A_129] : memref<256x128xf32, #tpu.memory_space<vmem>>[vector<16xi32>, vector<16xi32>], vector<16xf32>,
      %add3A_130 = arith.constant 0 : i32
      %add3A_131 = vector.broadcast %add3A_130 : i32 to vector<16xi32>
      %add3A_132 = arith.addi %mul3A_117, %add3A_131 : vector<16xi32>
      %gather3A_133 = tpu.vector_load_idx %arg14[%add3A_121, %add3A_132] : memref<256x128xf32, #tpu.memory_space<vmem>>[vector<16xi32>, vector<16xi32>], vector<16xf32>,
      %mul3A_134 = arith.mulf %gather3A, %gather3A_133 : vector<16xf32>
      %add3A_135 = arith.addf %add3A_126, %mul3A_134 : vector<16xf32>
      %add3A_136 = arith.constant 1 : i32
      %add3A_137 = vector.broadcast %add3A_136 : i32 to vector<16xi32>
      %add3A_138 = arith.addi %mul3A_88, %add3A_137 : vector<16xi32>
      %gather3A_139 = tpu.vector_load_idx %arg13[%add3A_121, %add3A_138] : memref<256x128xf32, #tpu.memory_space<vmem>>[vector<16xi32>, vector<16xi32>], vector<16xf32>,
      %add3A_140 = arith.constant 1 : i32
      %add3A_141 = vector.broadcast %add3A_140 : i32 to vector<16xi32>
      %add3A_142 = arith.addi %mul3A_117, %add3A_141 : vector<16xi32>
      %gather3A_143 = tpu.vector_load_idx %arg14[%add3A_121, %add3A_142] : memref<256x128xf32, #tpu.memory_space<vmem>>[vector<16xi32>, vector<16xi32>], vector<16xf32>,
      %mul3A_144 = arith.mulf %gather3A_139, %gather3A_143 : vector<16xf32>
      %add3A_145 = arith.addf %add3A_135, %mul3A_144 : vector<16xf32>
      %add3A_146 = arith.constant 2 : i32
      %add3A_147 = vector.broadcast %add3A_146 : i32 to vector<16xi32>
      %add3A_148 = arith.addi %mul3A_88, %add3A_147 : vector<16xi32>
      %gather3A_149 = tpu.vector_load_idx %arg13[%add3A_121, %add3A_148] : memref<256x128xf32, #tpu.memory_space<vmem>>[vector<16xi32>, vector<16xi32>], vector<16xf32>,
      %add3A_150 = arith.constant 2 : i32
      %add3A_151 = vector.broadcast %add3A_150 : i32 to vector<16xi32>
      %add3A_152 = arith.addi %mul3A_117, %add3A_151 : vector<16xi32>
      %gather3A_153 = tpu.vector_load_idx %arg14[%add3A_121, %add3A_152] : memref<256x128xf32, #tpu.memory_space<vmem>>[vector<16xi32>, vector<16xi32>], vector<16xf32>,
      %mul3A_154 = arith.mulf %gather3A_149, %gather3A_153 : vector<16xf32>
      %add3A_155 = arith.addf %add3A_145, %mul3A_154 : vector<16xf32>
      %add3A_156 = arith.constant 3 : i32
      %add3A_157 = vector.broadcast %add3A_156 : i32 to vector<16xi32>
      %add3A_158 = arith.addi %mul3A_88, %add3A_157 : vector<16xi32>
      %gather3A_159 = tpu.vector_load_idx %arg13[%add3A_121, %add3A_158] : memref<256x128xf32, #tpu.memory_space<vmem>>[vector<16xi32>, vector<16xi32>], vector<16xf32>,
      %add3A_160 = arith.constant 3 : i32
      %add3A_161 = vector.broadcast %add3A_160 : i32 to vector<16xi32>
      %add3A_162 = arith.addi %mul3A_117, %add3A_161 : vector<16xi32>
      %gather3A_163 = tpu.vector_load_idx %arg14[%add3A_121, %add3A_162] : memref<256x128xf32, #tpu.memory_space<vmem>>[vector<16xi32>, vector<16xi32>], vector<16xf32>,
      %mul3A_164 = arith.mulf %gather3A_159, %gather3A_163 : vector<16xf32>
      %add3A_165 = arith.addf %add3A_155, %mul3A_164 : vector<16xf32>
      %add3A_166 = arith.constant 4 : i32
      %add3A_167 = vector.broadcast %add3A_166 : i32 to vector<16xi32>
      %add3A_168 = arith.addi %mul3A_88, %add3A_167 : vector<16xi32>
      %gather3A_169 = tpu.vector_load_idx %arg13[%add3A_121, %add3A_168] : memref<256x128xf32, #tpu.memory_space<vmem>>[vector<16xi32>, vector<16xi32>], vector<16xf32>,
      %add3A_170 = arith.constant 4 : i32
      %add3A_171 = vector.broadcast %add3A_170 : i32 to vector<16xi32>
      %add3A_172 = arith.addi %mul3A_117, %add3A_171 : vector<16xi32>
      %gather3A_173 = tpu.vector_load_idx %arg14[%add3A_121, %add3A_172] : memref<256x128xf32, #tpu.memory_space<vmem>>[vector<16xi32>, vector<16xi32>], vector<16xf32>,
      %mul3A_174 = arith.mulf %gather3A_169, %gather3A_173 : vector<16xf32>
      %add3A_175 = arith.addf %add3A_165, %mul3A_174 : vector<16xf32>
      %add3A_176 = arith.constant 5 : i32
      %add3A_177 = vector.broadcast %add3A_176 : i32 to vector<16xi32>
      %add3A_178 = arith.addi %mul3A_88, %add3A_177 : vector<16xi32>
      %gather3A_179 = tpu.vector_load_idx %arg13[%add3A_121, %add3A_178] : memref<256x128xf32, #tpu.memory_space<vmem>>[vector<16xi32>, vector<16xi32>], vector<16xf32>,
      %add3A_180 = arith.constant 5 : i32
      %add3A_181 = vector.broadcast %add3A_180 : i32 to vector<16xi32>
      %add3A_182 = arith.addi %mul3A_117, %add3A_181 : vector<16xi32>
      %gather3A_183 = tpu.vector_load_idx %arg14[%add3A_121, %add3A_182] : memref<256x128xf32, #tpu.memory_space<vmem>>[vector<16xi32>, vector<16xi32>], vector<16xf32>,
      %mul3A_184 = arith.mulf %gather3A_179, %gather3A_183 : vector<16xf32>
      %add3A_185 = arith.addf %add3A_175, %mul3A_184 : vector<16xf32>
      %add3A_186 = arith.constant 6 : i32
      %add3A_187 = vector.broadcast %add3A_186 : i32 to vector<16xi32>
      %add3A_188 = arith.addi %mul3A_88, %add3A_187 : vector<16xi32>
      %gather3A_189 = tpu.vector_load_idx %arg13[%add3A_121, %add3A_188] : memref<256x128xf32, #tpu.memory_space<vmem>>[vector<16xi32>, vector<16xi32>], vector<16xf32>,
      %add3A_190 = arith.constant 6 : i32
      %add3A_191 = vector.broadcast %add3A_190 : i32 to vector<16xi32>
      %add3A_192 = arith.addi %mul3A_117, %add3A_191 : vector<16xi32>
      %gather3A_193 = tpu.vector_load_idx %arg14[%add3A_121, %add3A_192] : memref<256x128xf32, #tpu.memory_space<vmem>>[vector<16xi32>, vector<16xi32>], vector<16xf32>,
      %mul3A_194 = arith.mulf %gather3A_189, %gather3A_193 : vector<16xf32>
      %add3A_195 = arith.addf %add3A_185, %mul3A_194 : vector<16xf32>
      %add3A_196 = arith.constant 7 : i32
      %add3A_197 = vector.broadcast %add3A_196 : i32 to vector<16xi32>
      %add3A_198 = arith.addi %mul3A_88, %add3A_197 : vector<16xi32>
      %gather3A_199 = tpu.vector_load_idx %arg13[%add3A_121, %add3A_198] : memref<256x128xf32, #tpu.memory_space<vmem>>[vector<16xi32>, vector<16xi32>], vector<16xf32>,
      %add3A_200 = arith.constant 7 : i32
      %add3A_201 = vector.broadcast %add3A_200 : i32 to vector<16xi32>
      %add3A_202 = arith.addi %mul3A_117, %add3A_201 : vector<16xi32>
      %gather3A_203 = tpu.vector_load_idx %arg14[%add3A_121, %add3A_202] : memref<256x128xf32, #tpu.memory_space<vmem>>[vector<16xi32>, vector<16xi32>], vector<16xf32>,
      %mul3A_204 = arith.mulf %gather3A_199, %gather3A_203 : vector<16xf32>
      %add3A_205 = arith.addf %add3A_195, %mul3A_204 : vector<16xf32>
      %add3A_206 = arith.constant 8 : i32
      %add3A_207 = vector.broadcast %add3A_206 : i32 to vector<16xi32>
      %add3A_208 = arith.addi %mul3A_88, %add3A_207 : vector<16xi32>
      %gather3A_209 = tpu.vector_load_idx %arg13[%add3A_121, %add3A_208] : memref<256x128xf32, #tpu.memory_space<vmem>>[vector<16xi32>, vector<16xi32>], vector<16xf32>,
      %add3A_210 = arith.constant 8 : i32
      %add3A_211 = vector.broadcast %add3A_210 : i32 to vector<16xi32>
      %add3A_212 = arith.addi %mul3A_117, %add3A_211 : vector<16xi32>
      %gather3A_213 = tpu.vector_load_idx %arg14[%add3A_121, %add3A_212] : memref<256x128xf32, #tpu.memory_space<vmem>>[vector<16xi32>, vector<16xi32>], vector<16xf32>,
      %mul3A_214 = arith.mulf %gather3A_209, %gather3A_213 : vector<16xf32>
      %add3A_215 = arith.addf %add3A_205, %mul3A_214 : vector<16xf32>
      %add3A_216 = arith.constant 9 : i32
      %add3A_217 = vector.broadcast %add3A_216 : i32 to vector<16xi32>
      %add3A_218 = arith.addi %mul3A_88, %add3A_217 : vector<16xi32>
      %gather3A_219 = tpu.vector_load_idx %arg13[%add3A_121, %add3A_218] : memref<256x128xf32, #tpu.memory_space<vmem>>[vector<16xi32>, vector<16xi32>], vector<16xf32>,
      %add3A_220 = arith.constant 9 : i32
      %add3A_221 = vector.broadcast %add3A_220 : i32 to vector<16xi32>
      %add3A_222 = arith.addi %mul3A_117, %add3A_221 : vector<16xi32>
      %gather3A_223 = tpu.vector_load_idx %arg14[%add3A_121, %add3A_222] : memref<256x128xf32, #tpu.memory_space<vmem>>[vector<16xi32>, vector<16xi32>], vector<16xf32>,
      %mul3A_224 = arith.mulf %gather3A_219, %gather3A_223 : vector<16xf32>
      %add3A_225 = arith.addf %add3A_215, %mul3A_224 : vector<16xf32>
      %add3A_226 = arith.constant 10 : i32
      %add3A_227 = vector.broadcast %add3A_226 : i32 to vector<16xi32>
      %add3A_228 = arith.addi %mul3A_88, %add3A_227 : vector<16xi32>
      %gather3A_229 = tpu.vector_load_idx %arg13[%add3A_121, %add3A_228] : memref<256x128xf32, #tpu.memory_space<vmem>>[vector<16xi32>, vector<16xi32>], vector<16xf32>,
      %add3A_230 = arith.constant 10 : i32
      %add3A_231 = vector.broadcast %add3A_230 : i32 to vector<16xi32>
      %add3A_232 = arith.addi %mul3A_117, %add3A_231 : vector<16xi32>
      %gather3A_233 = tpu.vector_load_idx %arg14[%add3A_121, %add3A_232] : memref<256x128xf32, #tpu.memory_space<vmem>>[vector<16xi32>, vector<16xi32>], vector<16xf32>,
      %mul3A_234 = arith.mulf %gather3A_229, %gather3A_233 : vector<16xf32>
      %add3A_235 = arith.addf %add3A_225, %mul3A_234 : vector<16xf32>
      %add3A_236 = arith.constant 11 : i32
      %add3A_237 = vector.broadcast %add3A_236 : i32 to vector<16xi32>
      %add3A_238 = arith.addi %mul3A_88, %add3A_237 : vector<16xi32>
      %gather3A_239 = tpu.vector_load_idx %arg13[%add3A_121, %add3A_238] : memref<256x128xf32, #tpu.memory_space<vmem>>[vector<16xi32>, vector<16xi32>], vector<16xf32>,
      %add3A_240 = arith.constant 11 : i32
      %add3A_241 = vector.broadcast %add3A_240 : i32 to vector<16xi32>
      %add3A_242 = arith.addi %mul3A_117, %add3A_241 : vector<16xi32>
      %gather3A_243 = tpu.vector_load_idx %arg14[%add3A_121, %add3A_242] : memref<256x128xf32, #tpu.memory_space<vmem>>[vector<16xi32>, vector<16xi32>], vector<16xf32>,
      %mul3A_244 = arith.mulf %gather3A_239, %gather3A_243 : vector<16xf32>
      %add3A_245 = arith.addf %add3A_235, %mul3A_244 : vector<16xf32>
      %add3A_246 = arith.constant 12 : i32
      %add3A_247 = vector.broadcast %add3A_246 : i32 to vector<16xi32>
      %add3A_248 = arith.addi %mul3A_88, %add3A_247 : vector<16xi32>
      %gather3A_249 = tpu.vector_load_idx %arg13[%add3A_121, %add3A_248] : memref<256x128xf32, #tpu.memory_space<vmem>>[vector<16xi32>, vector<16xi32>], vector<16xf32>,
      %add3A_250 = arith.constant 12 : i32
      %add3A_251 = vector.broadcast %add3A_250 : i32 to vector<16xi32>
      %add3A_252 = arith.addi %mul3A_117, %add3A_251 : vector<16xi32>
      %gather3A_253 = tpu.vector_load_idx %arg14[%add3A_121, %add3A_252] : memref<256x128xf32, #tpu.memory_space<vmem>>[vector<16xi32>, vector<16xi32>], vector<16xf32>,
      %mul3A_254 = arith.mulf %gather3A_249, %gather3A_253 : vector<16xf32>
      %add3A_255 = arith.addf %add3A_245, %mul3A_254 : vector<16xf32>
      %add3A_256 = arith.constant 13 : i32
      %add3A_257 = vector.broadcast %add3A_256 : i32 to vector<16xi32>
      %add3A_258 = arith.addi %mul3A_88, %add3A_257 : vector<16xi32>
      %gather3A_259 = tpu.vector_load_idx %arg13[%add3A_121, %add3A_258] : memref<256x128xf32, #tpu.memory_space<vmem>>[vector<16xi32>, vector<16xi32>], vector<16xf32>,
      %add3A_260 = arith.constant 13 : i32
      %add3A_261 = vector.broadcast %add3A_260 : i32 to vector<16xi32>
      %add3A_262 = arith.addi %mul3A_117, %add3A_261 : vector<16xi32>
      %gather3A_263 = tpu.vector_load_idx %arg14[%add3A_121, %add3A_262] : memref<256x128xf32, #tpu.memory_space<vmem>>[vector<16xi32>, vector<16xi32>], vector<16xf32>,
      %mul3A_264 = arith.mulf %gather3A_259, %gather3A_263 : vector<16xf32>
      %add3A_265 = arith.addf %add3A_255, %mul3A_264 : vector<16xf32>
      %add3A_266 = arith.constant 14 : i32
      %add3A_267 = vector.broadcast %add3A_266 : i32 to vector<16xi32>
      %add3A_268 = arith.addi %mul3A_88, %add3A_267 : vector<16xi32>
      %gather3A_269 = tpu.vector_load_idx %arg13[%add3A_121, %add3A_268] : memref<256x128xf32, #tpu.memory_space<vmem>>[vector<16xi32>, vector<16xi32>], vector<16xf32>,
      %add3A_270 = arith.constant 14 : i32
      %add3A_271 = vector.broadcast %add3A_270 : i32 to vector<16xi32>
      %add3A_272 = arith.addi %mul3A_117, %add3A_271 : vector<16xi32>
      %gather3A_273 = tpu.vector_load_idx %arg14[%add3A_121, %add3A_272] : memref<256x128xf32, #tpu.memory_space<vmem>>[vector<16xi32>, vector<16xi32>], vector<16xf32>,
      %mul3A_274 = arith.mulf %gather3A_269, %gather3A_273 : vector<16xf32>
      %add3A_275 = arith.addf %add3A_265, %mul3A_274 : vector<16xf32>
      %add3A_276 = arith.constant 15 : i32
      %add3A_277 = vector.broadcast %add3A_276 : i32 to vector<16xi32>
      %add3A_278 = arith.addi %mul3A_88, %add3A_277 : vector<16xi32>
      %gather3A_279 = tpu.vector_load_idx %arg13[%add3A_121, %add3A_278] : memref<256x128xf32, #tpu.memory_space<vmem>>[vector<16xi32>, vector<16xi32>], vector<16xf32>,
      %add3A_280 = arith.constant 15 : i32
      %add3A_281 = vector.broadcast %add3A_280 : i32 to vector<16xi32>
      %add3A_282 = arith.addi %mul3A_117, %add3A_281 : vector<16xi32>
      %gather3A_283 = tpu.vector_load_idx %arg14[%add3A_121, %add3A_282] : memref<256x128xf32, #tpu.memory_space<vmem>>[vector<16xi32>, vector<16xi32>], vector<16xf32>,
      %mul3A_284 = arith.mulf %gather3A_279, %gather3A_283 : vector<16xf32>
      %add3A_285 = arith.addf %add3A_275, %mul3A_284 : vector<16xf32>
      %add3A_286 = arith.constant 16 : i32
      %add3A_287 = vector.broadcast %add3A_286 : i32 to vector<16xi32>
      %add3A_288 = arith.addi %mul3A_88, %add3A_287 : vector<16xi32>
      %gather3A_289 = tpu.vector_load_idx %arg13[%add3A_121, %add3A_288] : memref<256x128xf32, #tpu.memory_space<vmem>>[vector<16xi32>, vector<16xi32>], vector<16xf32>,
      %add3A_290 = arith.constant 16 : i32
      %add3A_291 = vector.broadcast %add3A_290 : i32 to vector<16xi32>
      %add3A_292 = arith.addi %mul3A_117, %add3A_291 : vector<16xi32>
      %gather3A_293 = tpu.vector_load_idx %arg14[%add3A_121, %add3A_292] : memref<256x128xf32, #tpu.memory_space<vmem>>[vector<16xi32>, vector<16xi32>], vector<16xf32>,
      %mul3A_294 = arith.mulf %gather3A_289, %gather3A_293 : vector<16xf32>
      %add3A_295 = arith.addf %add3A_285, %mul3A_294 : vector<16xf32>
      %add3A_296 = arith.constant 17 : i32
      %add3A_297 = vector.broadcast %add3A_296 : i32 to vector<16xi32>
      %add3A_298 = arith.addi %mul3A_88, %add3A_297 : vector<16xi32>
      %gather3A_299 = tpu.vector_load_idx %arg13[%add3A_121, %add3A_298] : memref<256x128xf32, #tpu.memory_space<vmem>>[vector<16xi32>, vector<16xi32>], vector<16xf32>,
      %add3A_300 = arith.constant 17 : i32
      %add3A_301 = vector.broadcast %add3A_300 : i32 to vector<16xi32>
      %add3A_302 = arith.addi %mul3A_117, %add3A_301 : vector<16xi32>
      %gather3A_303 = tpu.vector_load_idx %arg14[%add3A_121, %add3A_302] : memref<256x128xf32, #tpu.memory_space<vmem>>[vector<16xi32>, vector<16xi32>], vector<16xf32>,
      %mul3A_304 = arith.mulf %gather3A_299, %gather3A_303 : vector<16xf32>
      %add3A_305 = arith.addf %add3A_295, %mul3A_304 : vector<16xf32>
      %add3A_306 = arith.constant 18 : i32
      %add3A_307 = vector.broadcast %add3A_306 : i32 to vector<16xi32>
      %add3A_308 = arith.addi %mul3A_88, %add3A_307 : vector<16xi32>
      %gather3A_309 = tpu.vector_load_idx %arg13[%add3A_121, %add3A_308] : memref<256x128xf32, #tpu.memory_space<vmem>>[vector<16xi32>, vector<16xi32>], vector<16xf32>,
      %add3A_310 = arith.constant 18 : i32
      %add3A_311 = vector.broadcast %add3A_310 : i32 to vector<16xi32>
      %add3A_312 = arith.addi %mul3A_117, %add3A_311 : vector<16xi32>
      %gather3A_313 = tpu.vector_load_idx %arg14[%add3A_121, %add3A_312] : memref<256x128xf32, #tpu.memory_space<vmem>>[vector<16xi32>, vector<16xi32>], vector<16xf32>,
      %mul3A_314 = arith.mulf %gather3A_309, %gather3A_313 : vector<16xf32>
      %add3A_315 = arith.addf %add3A_305, %mul3A_314 : vector<16xf32>
      %add3A_316 = arith.constant 19 : i32
      %add3A_317 = vector.broadcast %add3A_316 : i32 to vector<16xi32>
      %add3A_318 = arith.addi %mul3A_88, %add3A_317 : vector<16xi32>
      %gather3A_319 = tpu.vector_load_idx %arg13[%add3A_121, %add3A_318] : memref<256x128xf32, #tpu.memory_space<vmem>>[vector<16xi32>, vector<16xi32>], vector<16xf32>,
      %add3A_320 = arith.constant 19 : i32
      %add3A_321 = vector.broadcast %add3A_320 : i32 to vector<16xi32>
      %add3A_322 = arith.addi %mul3A_117, %add3A_321 : vector<16xi32>
      %gather3A_323 = tpu.vector_load_idx %arg14[%add3A_121, %add3A_322] : memref<256x128xf32, #tpu.memory_space<vmem>>[vector<16xi32>, vector<16xi32>], vector<16xf32>,
      %mul3A_324 = arith.mulf %gather3A_319, %gather3A_323 : vector<16xf32>
      %add3A_325 = arith.addf %add3A_315, %mul3A_324 : vector<16xf32>
      %add3A_326 = arith.constant 20 : i32
      %add3A_327 = vector.broadcast %add3A_326 : i32 to vector<16xi32>
      %add3A_328 = arith.addi %mul3A_88, %add3A_327 : vector<16xi32>
      %gather3A_329 = tpu.vector_load_idx %arg13[%add3A_121, %add3A_328] : memref<256x128xf32, #tpu.memory_space<vmem>>[vector<16xi32>, vector<16xi32>], vector<16xf32>,
      %add3A_330 = arith.constant 20 : i32
      %add3A_331 = vector.broadcast %add3A_330 : i32 to vector<16xi32>
      %add3A_332 = arith.addi %mul3A_117, %add3A_331 : vector<16xi32>
      %gather3A_333 = tpu.vector_load_idx %arg14[%add3A_121, %add3A_332] : memref<256x128xf32, #tpu.memory_space<vmem>>[vector<16xi32>, vector<16xi32>], vector<16xf32>,
      %mul3A_334 = arith.mulf %gather3A_329, %gather3A_333 : vector<16xf32>
      %add3A_335 = arith.addf %add3A_325, %mul3A_334 : vector<16xf32>
      %add3A_336 = arith.constant 21 : i32
      %add3A_337 = vector.broadcast %add3A_336 : i32 to vector<16xi32>
      %add3A_338 = arith.addi %mul3A_88, %add3A_337 : vector<16xi32>
      %gather3A_339 = tpu.vector_load_idx %arg13[%add3A_121, %add3A_338] : memref<256x128xf32, #tpu.memory_space<vmem>>[vector<16xi32>, vector<16xi32>], vector<16xf32>,
      %add3A_340 = arith.constant 21 : i32
      %add3A_341 = vector.broadcast %add3A_340 : i32 to vector<16xi32>
      %add3A_342 = arith.addi %mul3A_117, %add3A_341 : vector<16xi32>
      %gather3A_343 = tpu.vector_load_idx %arg14[%add3A_121, %add3A_342] : memref<256x128xf32, #tpu.memory_space<vmem>>[vector<16xi32>, vector<16xi32>], vector<16xf32>,
      %mul3A_344 = arith.mulf %gather3A_339, %gather3A_343 : vector<16xf32>
      %add3A_345 = arith.addf %add3A_335, %mul3A_344 : vector<16xf32>
      %add3A_346 = arith.constant 22 : i32
      %add3A_347 = vector.broadcast %add3A_346 : i32 to vector<16xi32>
      %add3A_348 = arith.addi %mul3A_88, %add3A_347 : vector<16xi32>
      %gather3A_349 = tpu.vector_load_idx %arg13[%add3A_121, %add3A_348] : memref<256x128xf32, #tpu.memory_space<vmem>>[vector<16xi32>, vector<16xi32>], vector<16xf32>,
      %add3A_350 = arith.constant 22 : i32
      %add3A_351 = vector.broadcast %add3A_350 : i32 to vector<16xi32>
      %add3A_352 = arith.addi %mul3A_117, %add3A_351 : vector<16xi32>
      %gather3A_353 = tpu.vector_load_idx %arg14[%add3A_121, %add3A_352] : memref<256x128xf32, #tpu.memory_space<vmem>>[vector<16xi32>, vector<16xi32>], vector<16xf32>,
      %mul3A_354 = arith.mulf %gather3A_349, %gather3A_353 : vector<16xf32>
      %add3A_355 = arith.addf %add3A_345, %mul3A_354 : vector<16xf32>
      %add3A_356 = arith.constant 23 : i32
      %add3A_357 = vector.broadcast %add3A_356 : i32 to vector<16xi32>
      %add3A_358 = arith.addi %mul3A_88, %add3A_357 : vector<16xi32>
      %gather3A_359 = tpu.vector_load_idx %arg13[%add3A_121, %add3A_358] : memref<256x128xf32, #tpu.memory_space<vmem>>[vector<16xi32>, vector<16xi32>], vector<16xf32>,
      %add3A_360 = arith.constant 23 : i32
      %add3A_361 = vector.broadcast %add3A_360 : i32 to vector<16xi32>
      %add3A_362 = arith.addi %mul3A_117, %add3A_361 : vector<16xi32>
      %gather3A_363 = tpu.vector_load_idx %arg14[%add3A_121, %add3A_362] : memref<256x128xf32, #tpu.memory_space<vmem>>[vector<16xi32>, vector<16xi32>], vector<16xf32>,
      %mul3A_364 = arith.mulf %gather3A_359, %gather3A_363 : vector<16xf32>
      %add3A_365 = arith.addf %add3A_355, %mul3A_364 : vector<16xf32>
      %add3A_366 = arith.constant 24 : i32
      %add3A_367 = vector.broadcast %add3A_366 : i32 to vector<16xi32>
      %add3A_368 = arith.addi %mul3A_88, %add3A_367 : vector<16xi32>
      %gather3A_369 = tpu.vector_load_idx %arg13[%add3A_121, %add3A_368] : memref<256x128xf32, #tpu.memory_space<vmem>>[vector<16xi32>, vector<16xi32>], vector<16xf32>,
      %add3A_370 = arith.constant 24 : i32
      %add3A_371 = vector.broadcast %add3A_370 : i32 to vector<16xi32>
      %add3A_372 = arith.addi %mul3A_117, %add3A_371 : vector<16xi32>
      %gather3A_373 = tpu.vector_load_idx %arg14[%add3A_121, %add3A_372] : memref<256x128xf32, #tpu.memory_space<vmem>>[vector<16xi32>, vector<16xi32>], vector<16xf32>,
      %mul3A_374 = arith.mulf %gather3A_369, %gather3A_373 : vector<16xf32>
      %add3A_375 = arith.addf %add3A_365, %mul3A_374 : vector<16xf32>
      %add3A_376 = arith.constant 25 : i32
      %add3A_377 = vector.broadcast %add3A_376 : i32 to vector<16xi32>
      %add3A_378 = arith.addi %mul3A_88, %add3A_377 : vector<16xi32>
      %gather3A_379 = tpu.vector_load_idx %arg13[%add3A_121, %add3A_378] : memref<256x128xf32, #tpu.memory_space<vmem>>[vector<16xi32>, vector<16xi32>], vector<16xf32>,
      %add3A_380 = arith.constant 25 : i32
      %add3A_381 = vector.broadcast %add3A_380 : i32 to vector<16xi32>
      %add3A_382 = arith.addi %mul3A_117, %add3A_381 : vector<16xi32>
      %gather3A_383 = tpu.vector_load_idx %arg14[%add3A_121, %add3A_382] : memref<256x128xf32, #tpu.memory_space<vmem>>[vector<16xi32>, vector<16xi32>], vector<16xf32>,
      %mul3A_384 = arith.mulf %gather3A_379, %gather3A_383 : vector<16xf32>
      %add3A_385 = arith.addf %add3A_375, %mul3A_384 : vector<16xf32>
      %add3A_386 = arith.constant 26 : i32
      %add3A_387 = vector.broadcast %add3A_386 : i32 to vector<16xi32>
      %add3A_388 = arith.addi %mul3A_88, %add3A_387 : vector<16xi32>
      %gather3A_389 = tpu.vector_load_idx %arg13[%add3A_121, %add3A_388] : memref<256x128xf32, #tpu.memory_space<vmem>>[vector<16xi32>, vector<16xi32>], vector<16xf32>,
      %add3A_390 = arith.constant 26 : i32
      %add3A_391 = vector.broadcast %add3A_390 : i32 to vector<16xi32>
      %add3A_392 = arith.addi %mul3A_117, %add3A_391 : vector<16xi32>
      %gather3A_393 = tpu.vector_load_idx %arg14[%add3A_121, %add3A_392] : memref<256x128xf32, #tpu.memory_space<vmem>>[vector<16xi32>, vector<16xi32>], vector<16xf32>,
      %mul3A_394 = arith.mulf %gather3A_389, %gather3A_393 : vector<16xf32>
      %add3A_395 = arith.addf %add3A_385, %mul3A_394 : vector<16xf32>
      %add3A_396 = arith.constant 27 : i32
      %add3A_397 = vector.broadcast %add3A_396 : i32 to vector<16xi32>
      %add3A_398 = arith.addi %mul3A_88, %add3A_397 : vector<16xi32>
      %gather3A_399 = tpu.vector_load_idx %arg13[%add3A_121, %add3A_398] : memref<256x128xf32, #tpu.memory_space<vmem>>[vector<16xi32>, vector<16xi32>], vector<16xf32>,
      %add3A_400 = arith.constant 27 : i32
      %add3A_401 = vector.broadcast %add3A_400 : i32 to vector<16xi32>
      %add3A_402 = arith.addi %mul3A_117, %add3A_401 : vector<16xi32>
      %gather3A_403 = tpu.vector_load_idx %arg14[%add3A_121, %add3A_402] : memref<256x128xf32, #tpu.memory_space<vmem>>[vector<16xi32>, vector<16xi32>], vector<16xf32>,
      %mul3A_404 = arith.mulf %gather3A_399, %gather3A_403 : vector<16xf32>
      %add3A_405 = arith.addf %add3A_395, %mul3A_404 : vector<16xf32>
      %add3A_406 = arith.constant 28 : i32
      %add3A_407 = vector.broadcast %add3A_406 : i32 to vector<16xi32>
      %add3A_408 = arith.addi %mul3A_88, %add3A_407 : vector<16xi32>
      %gather3A_409 = tpu.vector_load_idx %arg13[%add3A_121, %add3A_408] : memref<256x128xf32, #tpu.memory_space<vmem>>[vector<16xi32>, vector<16xi32>], vector<16xf32>,
      %add3A_410 = arith.constant 28 : i32
      %add3A_411 = vector.broadcast %add3A_410 : i32 to vector<16xi32>
      %add3A_412 = arith.addi %mul3A_117, %add3A_411 : vector<16xi32>
      %gather3A_413 = tpu.vector_load_idx %arg14[%add3A_121, %add3A_412] : memref<256x128xf32, #tpu.memory_space<vmem>>[vector<16xi32>, vector<16xi32>], vector<16xf32>,
      %mul3A_414 = arith.mulf %gather3A_409, %gather3A_413 : vector<16xf32>
      %add3A_415 = arith.addf %add3A_405, %mul3A_414 : vector<16xf32>
      %add3A_416 = arith.constant 29 : i32
      %add3A_417 = vector.broadcast %add3A_416 : i32 to vector<16xi32>
      %add3A_418 = arith.addi %mul3A_88, %add3A_417 : vector<16xi32>
      %gather3A_419 = tpu.vector_load_idx %arg13[%add3A_121, %add3A_418] : memref<256x128xf32, #tpu.memory_space<vmem>>[vector<16xi32>, vector<16xi32>], vector<16xf32>,
      %add3A_420 = arith.constant 29 : i32
      %add3A_421 = vector.broadcast %add3A_420 : i32 to vector<16xi32>
      %add3A_422 = arith.addi %mul3A_117, %add3A_421 : vector<16xi32>
      %gather3A_423 = tpu.vector_load_idx %arg14[%add3A_121, %add3A_422] : memref<256x128xf32, #tpu.memory_space<vmem>>[vector<16xi32>, vector<16xi32>], vector<16xf32>,
      %mul3A_424 = arith.mulf %gather3A_419, %gather3A_423 : vector<16xf32>
      %add3A_425 = arith.addf %add3A_415, %mul3A_424 : vector<16xf32>
      %add3A_426 = arith.constant 30 : i32
      %add3A_427 = vector.broadcast %add3A_426 : i32 to vector<16xi32>
      %add3A_428 = arith.addi %mul3A_88, %add3A_427 : vector<16xi32>
      %gather3A_429 = tpu.vector_load_idx %arg13[%add3A_121, %add3A_428] : memref<256x128xf32, #tpu.memory_space<vmem>>[vector<16xi32>, vector<16xi32>], vector<16xf32>,
      %add3A_430 = arith.constant 30 : i32
      %add3A_431 = vector.broadcast %add3A_430 : i32 to vector<16xi32>
      %add3A_432 = arith.addi %mul3A_117, %add3A_431 : vector<16xi32>
      %gather3A_433 = tpu.vector_load_idx %arg14[%add3A_121, %add3A_432] : memref<256x128xf32, #tpu.memory_space<vmem>>[vector<16xi32>, vector<16xi32>], vector<16xf32>,
      %mul3A_434 = arith.mulf %gather3A_429, %gather3A_433 : vector<16xf32>
      %add3A_435 = arith.addf %add3A_425, %mul3A_434 : vector<16xf32>
      %add3A_436 = arith.constant 31 : i32
      %add3A_437 = vector.broadcast %add3A_436 : i32 to vector<16xi32>
      %add3A_438 = arith.addi %mul3A_88, %add3A_437 : vector<16xi32>
      %gather3A_439 = tpu.vector_load_idx %arg13[%add3A_121, %add3A_438] : memref<256x128xf32, #tpu.memory_space<vmem>>[vector<16xi32>, vector<16xi32>], vector<16xf32>,
      %add3A_440 = arith.constant 31 : i32
      %add3A_441 = vector.broadcast %add3A_440 : i32 to vector<16xi32>
      %add3A_442 = arith.addi %mul3A_117, %add3A_441 : vector<16xi32>
      %gather3A_443 = tpu.vector_load_idx %arg14[%add3A_121, %add3A_442] : memref<256x128xf32, #tpu.memory_space<vmem>>[vector<16xi32>, vector<16xi32>], vector<16xf32>,
      %mul3A_444 = arith.mulf %gather3A_439, %gather3A_443 : vector<16xf32>
      %add3A_445 = arith.addf %add3A_435, %mul3A_444 : vector<16xf32>
      %swap3A = arith.index_cast %add3A_60 : i32 to index
      %swap3A_446 = tpu.vector_load %arg17[%swap3A] {strides = array<i32>} : memref<512xf32, #tpu.memory_space<vmem>>, vector<16xf32>,
      tpu.vector_store %arg17[%swap3A], %add3A_445 {strides = array<i32>} : memref<512xf32, #tpu.memory_space<vmem>>, vector<16xf32>,
    }
    %scan3A_31 = arith.constant 16 : i32
    %scan3A_32 = arith.constant 0 : i32
    %scan3A_33 = arith.constant 0 : i32
    %scan3A_34 = arith.constant 16 : i32
    %scan3A_35 = arith.addi %scan3A_33, %scan3A_34 : i32
    %scan3A_36 = arith.constant 1 : i32
    scf.for %scan3A_56 = %scan3A_33 to %scan3A_35 step %scan3A_36  : i32 {
      %mul3A_57 = arith.constant 16 : i32
      %mul3A_58 = arith.muli %scan3A_56, %mul3A_57 : i32
      %add3A_59 = arith.constant 256 : i32
      %add3A_60 = arith.addi %add3A_59, %mul3A_58 : i32
      %get3A = arith.index_cast %add3A_60 : i32 to index
      %get3A_61 = tpu.vector_load %arg9[%get3A] {strides = array<i32>} : memref<512xi32, #tpu.memory_space<vmem>>, vector<16xi32>,
      %mul3A_62 = arith.constant 16 : i32
      %mul3A_63 = arith.muli %scan3A_56, %mul3A_62 : i32
      %add3A_64 = arith.constant 256 : i32
      %add3A_65 = arith.addi %add3A_64, %mul3A_63 : i32
      %get3A_66 = arith.index_cast %add3A_65 : i32 to index
      %get3A_67 = tpu.vector_load %arg10[%get3A_66] {strides = array<i32>} : memref<512xi32, #tpu.memory_space<vmem>>, vector<16xi32>,
      %ge3A = arith.constant 253952 : i32
      %ge3A_68 = vector.broadcast %ge3A : i32 to vector<16xi32>
      %ge3A_69 = arith.cmpi sge, %get3A_61, %ge3A_68 : vector<16xi32>
      %jit3A = arith.constant 1 : i32
      %jit3A_70 = arith.constant 0 : i32
      %broadcast_in_dim3A = vector.broadcast %jit3A : i32 to vector<16xi32>
      %broadcast_in_dim3A_71 = vector.broadcast %jit3A_70 : i32 to vector<16xi32>
      %select_n3A = arith.select %ge3A_69, %broadcast_in_dim3A, %broadcast_in_dim3A_71 : vector<16xi1>, vector<16xi32>
      %ge3A_72 = arith.constant 507904 : i32
      %ge3A_73 = vector.broadcast %ge3A_72 : i32 to vector<16xi32>
      %ge3A_74 = arith.cmpi sge, %get3A_61, %ge3A_73 : vector<16xi32>
      %jit3A_75 = arith.constant 1 : i32
      %jit3A_76 = arith.constant 0 : i32
      %broadcast_in_dim3A_77 = vector.broadcast %jit3A_75 : i32 to vector<16xi32>
      %broadcast_in_dim3A_78 = vector.broadcast %jit3A_76 : i32 to vector<16xi32>
      %select_n3A_79 = arith.select %ge3A_74, %broadcast_in_dim3A_77, %broadcast_in_dim3A_78 : vector<16xi1>, vector<16xi32>
      %add3A_80 = arith.addi %select_n3A, %select_n3A_79 : vector<16xi32>
      %ge3A_81 = arith.constant 761856 : i32
      %ge3A_82 = vector.broadcast %ge3A_81 : i32 to vector<16xi32>
      %ge3A_83 = arith.cmpi sge, %get3A_61, %ge3A_82 : vector<16xi32>
      %jit3A_84 = arith.constant 1 : i32
      %jit3A_85 = arith.constant 0 : i32
      %broadcast_in_dim3A_86 = vector.broadcast %jit3A_84 : i32 to vector<16xi32>
      %broadcast_in_dim3A_87 = vector.broadcast %jit3A_85 : i32 to vector<16xi32>
      %select_n3A_88 = arith.select %ge3A_83, %broadcast_in_dim3A_86, %broadcast_in_dim3A_87 : vector<16xi1>, vector<16xi32>
      %add3A_89 = arith.addi %add3A_80, %select_n3A_88 : vector<16xi32>
      %mul3A_90 = arith.constant 253952 : i32
      %mul3A_91 = vector.broadcast %mul3A_90 : i32 to vector<16xi32>
      %mul3A_92 = arith.muli %add3A_89, %mul3A_91 : vector<16xi32>
      %sub3A = arith.subi %get3A_61, %mul3A_92 : vector<16xi32>
      %mul3A_93 = arith.constant 16 : i32
      %mul3A_94 = arith.muli %scan3A_56, %mul3A_93 : i32
      %swap3A = arith.index_cast %mul3A_94 : i32 to index
      %swap3A_95 = tpu.vector_load %arg11[%swap3A] {strides = array<i32>} : memref<256xi32, #tpu.memory_space<vmem>>, vector<16xi32>,
      tpu.vector_store %arg11[%swap3A], %sub3A {strides = array<i32>} : memref<256xi32, #tpu.memory_space<vmem>>, vector<16xi32>,
      %ge3A_96 = arith.constant 253952 : i32
      %ge3A_97 = vector.broadcast %ge3A_96 : i32 to vector<16xi32>
      %ge3A_98 = arith.cmpi sge, %get3A_67, %ge3A_97 : vector<16xi32>
      %jit3A_99 = arith.constant 1 : i32
      %jit3A_100 = arith.constant 0 : i32
      %broadcast_in_dim3A_101 = vector.broadcast %jit3A_99 : i32 to vector<16xi32>
      %broadcast_in_dim3A_102 = vector.broadcast %jit3A_100 : i32 to vector<16xi32>
      %select_n3A_103 = arith.select %ge3A_98, %broadcast_in_dim3A_101, %broadcast_in_dim3A_102 : vector<16xi1>, vector<16xi32>
      %ge3A_104 = arith.constant 507904 : i32
      %ge3A_105 = vector.broadcast %ge3A_104 : i32 to vector<16xi32>
      %ge3A_106 = arith.cmpi sge, %get3A_67, %ge3A_105 : vector<16xi32>
      %jit3A_107 = arith.constant 1 : i32
      %jit3A_108 = arith.constant 0 : i32
      %broadcast_in_dim3A_109 = vector.broadcast %jit3A_107 : i32 to vector<16xi32>
      %broadcast_in_dim3A_110 = vector.broadcast %jit3A_108 : i32 to vector<16xi32>
      %select_n3A_111 = arith.select %ge3A_106, %broadcast_in_dim3A_109, %broadcast_in_dim3A_110 : vector<16xi1>, vector<16xi32>
      %add3A_112 = arith.addi %select_n3A_103, %select_n3A_111 : vector<16xi32>
      %ge3A_113 = arith.constant 761856 : i32
      %ge3A_114 = vector.broadcast %ge3A_113 : i32 to vector<16xi32>
      %ge3A_115 = arith.cmpi sge, %get3A_67, %ge3A_114 : vector<16xi32>
      %jit3A_116 = arith.constant 1 : i32
      %jit3A_117 = arith.constant 0 : i32
      %broadcast_in_dim3A_118 = vector.broadcast %jit3A_116 : i32 to vector<16xi32>
      %broadcast_in_dim3A_119 = vector.broadcast %jit3A_117 : i32 to vector<16xi32>
      %select_n3A_120 = arith.select %ge3A_115, %broadcast_in_dim3A_118, %broadcast_in_dim3A_119 : vector<16xi1>, vector<16xi32>
      %add3A_121 = arith.addi %add3A_112, %select_n3A_120 : vector<16xi32>
      %mul3A_122 = arith.constant 253952 : i32
      %mul3A_123 = vector.broadcast %mul3A_122 : i32 to vector<16xi32>
      %mul3A_124 = arith.muli %add3A_121, %mul3A_123 : vector<16xi32>
      %sub3A_125 = arith.subi %get3A_67, %mul3A_124 : vector<16xi32>
      %mul3A_126 = arith.constant 16 : i32
      %mul3A_127 = arith.muli %scan3A_56, %mul3A_126 : i32
      %swap3A_128 = arith.index_cast %mul3A_127 : i32 to index
      %swap3A_129 = tpu.vector_load %arg12[%swap3A_128] {strides = array<i32>} : memref<256xi32, #tpu.memory_space<vmem>>, vector<16xi32>,
      tpu.vector_store %arg12[%swap3A_128], %sub3A_125 {strides = array<i32>} : memref<256xi32, #tpu.memory_space<vmem>>, vector<16xi32>,
    }
    %scan3A_37 = arith.constant 16 : i32
    %dma_start3A_38 = arith.constant 0 : i32
    %dma_start3A_39 = arith.constant 0 : i32
    %dma_start3A_40 = tpu.memref_slice %arg4[%dma_start3A_38, %dma_start3A_39] : memref<253952x128xf32, #tpu.memory_space<hbm>> -> memref<253952x128xf32, #tpu.memory_space<hbm>>
    tpu.enqueue_indirect_dma source(%dma_start3A_40 : memref<253952x128xf32, #tpu.memory_space<hbm>>) target(%arg13 : memref<256x128xf32, #tpu.memory_space<vmem>>) offsets(%arg11 : memref<256xi32, #tpu.memory_space<vmem>>) semaphore(%arg18 : memref<!tpu.dma_semaphore, #tpu.memory_space<semaphore_mem>>)
    %dma_start3A_41 = arith.constant 0 : i32
    %dma_start3A_42 = arith.constant 0 : i32
    %dma_start3A_43 = tpu.memref_slice %arg5[%dma_start3A_41, %dma_start3A_42] : memref<253952x128xf32, #tpu.memory_space<hbm>> -> memref<253952x128xf32, #tpu.memory_space<hbm>>
    tpu.enqueue_indirect_dma source(%dma_start3A_43 : memref<253952x128xf32, #tpu.memory_space<hbm>>) target(%arg14 : memref<256x128xf32, #tpu.memory_space<vmem>>) offsets(%arg12 : memref<256xi32, #tpu.memory_space<vmem>>) semaphore(%arg18 : memref<!tpu.dma_semaphore, #tpu.memory_space<semaphore_mem>>)
    %dma_wait3A_44 = arith.constant 0 : i32
    %dma_wait3A_45 = arith.constant 0 : i32
    %dma_wait3A_46 = tpu.memref_slice %arg4[%dma_wait3A_44, %dma_wait3A_45] : memref<253952x128xf32, #tpu.memory_space<hbm>> -> memref<253952x128xf32, #tpu.memory_space<hbm>>
    tpu.wait_indirect_dma semaphore(%arg18 : memref<!tpu.dma_semaphore, #tpu.memory_space<semaphore_mem>>) src(%dma_wait3A_46 : memref<253952x128xf32, #tpu.memory_space<hbm>>) dst(%arg13 : memref<256x128xf32, #tpu.memory_space<vmem>>)
    %dma_wait3A_47 = arith.constant 0 : i32
    %dma_wait3A_48 = arith.constant 0 : i32
    %dma_wait3A_49 = tpu.memref_slice %arg5[%dma_wait3A_47, %dma_wait3A_48] : memref<253952x128xf32, #tpu.memory_space<hbm>> -> memref<253952x128xf32, #tpu.memory_space<hbm>>
    tpu.wait_indirect_dma semaphore(%arg18 : memref<!tpu.dma_semaphore, #tpu.memory_space<semaphore_mem>>) src(%dma_wait3A_49 : memref<253952x128xf32, #tpu.memory_space<hbm>>) dst(%arg14 : memref<256x128xf32, #tpu.memory_space<vmem>>)
    %scan3A_50 = arith.constant 0 : i32
    %scan3A_51 = arith.constant 0 : i32
    %scan3A_52 = arith.constant 16 : i32
    %scan3A_53 = arith.addi %scan3A_51, %scan3A_52 : i32
    %scan3A_54 = arith.constant 1 : i32
    scf.for %scan3A_56 = %scan3A_51 to %scan3A_53 step %scan3A_54  : i32 {
      %mul3A_57 = arith.constant 16 : i32
      %mul3A_58 = arith.muli %scan3A_56, %mul3A_57 : i32
      %add3A_59 = arith.constant 256 : i32
      %add3A_60 = arith.addi %add3A_59, %mul3A_58 : i32
      %get3A = arith.index_cast %add3A_60 : i32 to index
      %get3A_61 = tpu.vector_load %arg9[%get3A] {strides = array<i32>} : memref<512xi32, #tpu.memory_space<vmem>>, vector<16xi32>,
      %get3A_62 = arith.index_cast %add3A_60 : i32 to index
      %get3A_63 = tpu.vector_load %arg10[%get3A_62] {strides = array<i32>} : memref<512xi32, #tpu.memory_space<vmem>>, vector<16xi32>,
      %ge3A = arith.constant 253952 : i32
      %ge3A_64 = vector.broadcast %ge3A : i32 to vector<16xi32>
      %ge3A_65 = arith.cmpi sge, %get3A_61, %ge3A_64 : vector<16xi32>
      %jit3A = arith.constant 1 : i32
      %jit3A_66 = arith.constant 0 : i32
      %broadcast_in_dim3A = vector.broadcast %jit3A : i32 to vector<16xi32>
      %broadcast_in_dim3A_67 = vector.broadcast %jit3A_66 : i32 to vector<16xi32>
      %select_n3A = arith.select %ge3A_65, %broadcast_in_dim3A, %broadcast_in_dim3A_67 : vector<16xi1>, vector<16xi32>
      %ge3A_68 = arith.constant 507904 : i32
      %ge3A_69 = vector.broadcast %ge3A_68 : i32 to vector<16xi32>
      %ge3A_70 = arith.cmpi sge, %get3A_61, %ge3A_69 : vector<16xi32>
      %jit3A_71 = arith.constant 1 : i32
      %jit3A_72 = arith.constant 0 : i32
      %broadcast_in_dim3A_73 = vector.broadcast %jit3A_71 : i32 to vector<16xi32>
      %broadcast_in_dim3A_74 = vector.broadcast %jit3A_72 : i32 to vector<16xi32>
      %select_n3A_75 = arith.select %ge3A_70, %broadcast_in_dim3A_73, %broadcast_in_dim3A_74 : vector<16xi1>, vector<16xi32>
      %add3A_76 = arith.addi %select_n3A, %select_n3A_75 : vector<16xi32>
      %ge3A_77 = arith.constant 761856 : i32
      %ge3A_78 = vector.broadcast %ge3A_77 : i32 to vector<16xi32>
      %ge3A_79 = arith.cmpi sge, %get3A_61, %ge3A_78 : vector<16xi32>
      %jit3A_80 = arith.constant 1 : i32
      %jit3A_81 = arith.constant 0 : i32
      %broadcast_in_dim3A_82 = vector.broadcast %jit3A_80 : i32 to vector<16xi32>
      %broadcast_in_dim3A_83 = vector.broadcast %jit3A_81 : i32 to vector<16xi32>
      %select_n3A_84 = arith.select %ge3A_79, %broadcast_in_dim3A_82, %broadcast_in_dim3A_83 : vector<16xi1>, vector<16xi32>
      %add3A_85 = arith.addi %add3A_76, %select_n3A_84 : vector<16xi32>
      %mul3A_86 = arith.constant 32 : i32
      %mul3A_87 = vector.broadcast %mul3A_86 : i32 to vector<16xi32>
      %mul3A_88 = arith.muli %add3A_85, %mul3A_87 : vector<16xi32>
      %ge3A_89 = arith.constant 253952 : i32
      %ge3A_90 = vector.broadcast %ge3A_89 : i32 to vector<16xi32>
      %ge3A_91 = arith.cmpi sge, %get3A_63, %ge3A_90 : vector<16xi32>
      %jit3A_92 = arith.constant 1 : i32
      %jit3A_93 = arith.constant 0 : i32
      %broadcast_in_dim3A_94 = vector.broadcast %jit3A_92 : i32 to vector<16xi32>
      %broadcast_in_dim3A_95 = vector.broadcast %jit3A_93 : i32 to vector<16xi32>
      %select_n3A_96 = arith.select %ge3A_91, %broadcast_in_dim3A_94, %broadcast_in_dim3A_95 : vector<16xi1>, vector<16xi32>
      %ge3A_97 = arith.constant 507904 : i32
      %ge3A_98 = vector.broadcast %ge3A_97 : i32 to vector<16xi32>
      %ge3A_99 = arith.cmpi sge, %get3A_63, %ge3A_98 : vector<16xi32>
      %jit3A_100 = arith.constant 1 : i32
      %jit3A_101 = arith.constant 0 : i32
      %broadcast_in_dim3A_102 = vector.broadcast %jit3A_100 : i32 to vector<16xi32>
      %broadcast_in_dim3A_103 = vector.broadcast %jit3A_101 : i32 to vector<16xi32>
      %select_n3A_104 = arith.select %ge3A_99, %broadcast_in_dim3A_102, %broadcast_in_dim3A_103 : vector<16xi1>, vector<16xi32>
      %add3A_105 = arith.addi %select_n3A_96, %select_n3A_104 : vector<16xi32>
      %ge3A_106 = arith.constant 761856 : i32
      %ge3A_107 = vector.broadcast %ge3A_106 : i32 to vector<16xi32>
      %ge3A_108 = arith.cmpi sge, %get3A_63, %ge3A_107 : vector<16xi32>
      %jit3A_109 = arith.constant 1 : i32
      %jit3A_110 = arith.constant 0 : i32
      %broadcast_in_dim3A_111 = vector.broadcast %jit3A_109 : i32 to vector<16xi32>
      %broadcast_in_dim3A_112 = vector.broadcast %jit3A_110 : i32 to vector<16xi32>
      %select_n3A_113 = arith.select %ge3A_108, %broadcast_in_dim3A_111, %broadcast_in_dim3A_112 : vector<16xi1>, vector<16xi32>
      %add3A_114 = arith.addi %add3A_105, %select_n3A_113 : vector<16xi32>
      %mul3A_115 = arith.constant 32 : i32
      %mul3A_116 = vector.broadcast %mul3A_115 : i32 to vector<16xi32>
      %mul3A_117 = arith.muli %add3A_114, %mul3A_116 : vector<16xi32>
      %mul3A_118 = arith.constant 16 : i32
      %mul3A_119 = arith.muli %scan3A_56, %mul3A_118 : i32
      %add3A_120 = vector.broadcast %mul3A_119 : i32 to vector<16xi32>
      %add3A_121 = arith.addi %add3A_120, %iota3A : vector<16xi32>
      %get3A_122 = arith.index_cast %add3A_60 : i32 to index
      %get3A_123 = tpu.vector_load %arg15[%get3A_122] {strides = array<i32>} : memref<512xf32, #tpu.memory_space<vmem>>, vector<16xf32>,
      %get3A_124 = arith.index_cast %add3A_60 : i32 to index
      %get3A_125 = tpu.vector_load %arg16[%get3A_124] {strides = array<i32>} : memref<512xf32, #tpu.memory_space<vmem>>, vector<16xf32>,
      %add3A_126 = arith.addf %get3A_123, %get3A_125 : vector<16xf32>
      %add3A_127 = arith.constant 0 : i32
      %add3A_128 = vector.broadcast %add3A_127 : i32 to vector<16xi32>
      %add3A_129 = arith.addi %mul3A_88, %add3A_128 : vector<16xi32>
      %gather3A = tpu.vector_load_idx %arg13[%add3A_121, %add3A_129] : memref<256x128xf32, #tpu.memory_space<vmem>>[vector<16xi32>, vector<16xi32>], vector<16xf32>,
      %add3A_130 = arith.constant 0 : i32
      %add3A_131 = vector.broadcast %add3A_130 : i32 to vector<16xi32>
      %add3A_132 = arith.addi %mul3A_117, %add3A_131 : vector<16xi32>
      %gather3A_133 = tpu.vector_load_idx %arg14[%add3A_121, %add3A_132] : memref<256x128xf32, #tpu.memory_space<vmem>>[vector<16xi32>, vector<16xi32>], vector<16xf32>,
      %mul3A_134 = arith.mulf %gather3A, %gather3A_133 : vector<16xf32>
      %add3A_135 = arith.addf %add3A_126, %mul3A_134 : vector<16xf32>
      %add3A_136 = arith.constant 1 : i32
      %add3A_137 = vector.broadcast %add3A_136 : i32 to vector<16xi32>
      %add3A_138 = arith.addi %mul3A_88, %add3A_137 : vector<16xi32>
      %gather3A_139 = tpu.vector_load_idx %arg13[%add3A_121, %add3A_138] : memref<256x128xf32, #tpu.memory_space<vmem>>[vector<16xi32>, vector<16xi32>], vector<16xf32>,
      %add3A_140 = arith.constant 1 : i32
      %add3A_141 = vector.broadcast %add3A_140 : i32 to vector<16xi32>
      %add3A_142 = arith.addi %mul3A_117, %add3A_141 : vector<16xi32>
      %gather3A_143 = tpu.vector_load_idx %arg14[%add3A_121, %add3A_142] : memref<256x128xf32, #tpu.memory_space<vmem>>[vector<16xi32>, vector<16xi32>], vector<16xf32>,
      %mul3A_144 = arith.mulf %gather3A_139, %gather3A_143 : vector<16xf32>
      %add3A_145 = arith.addf %add3A_135, %mul3A_144 : vector<16xf32>
      %add3A_146 = arith.constant 2 : i32
      %add3A_147 = vector.broadcast %add3A_146 : i32 to vector<16xi32>
      %add3A_148 = arith.addi %mul3A_88, %add3A_147 : vector<16xi32>
      %gather3A_149 = tpu.vector_load_idx %arg13[%add3A_121, %add3A_148] : memref<256x128xf32, #tpu.memory_space<vmem>>[vector<16xi32>, vector<16xi32>], vector<16xf32>,
      %add3A_150 = arith.constant 2 : i32
      %add3A_151 = vector.broadcast %add3A_150 : i32 to vector<16xi32>
      %add3A_152 = arith.addi %mul3A_117, %add3A_151 : vector<16xi32>
      %gather3A_153 = tpu.vector_load_idx %arg14[%add3A_121, %add3A_152] : memref<256x128xf32, #tpu.memory_space<vmem>>[vector<16xi32>, vector<16xi32>], vector<16xf32>,
      %mul3A_154 = arith.mulf %gather3A_149, %gather3A_153 : vector<16xf32>
      %add3A_155 = arith.addf %add3A_145, %mul3A_154 : vector<16xf32>
      %add3A_156 = arith.constant 3 : i32
      %add3A_157 = vector.broadcast %add3A_156 : i32 to vector<16xi32>
      %add3A_158 = arith.addi %mul3A_88, %add3A_157 : vector<16xi32>
      %gather3A_159 = tpu.vector_load_idx %arg13[%add3A_121, %add3A_158] : memref<256x128xf32, #tpu.memory_space<vmem>>[vector<16xi32>, vector<16xi32>], vector<16xf32>,
      %add3A_160 = arith.constant 3 : i32
      %add3A_161 = vector.broadcast %add3A_160 : i32 to vector<16xi32>
      %add3A_162 = arith.addi %mul3A_117, %add3A_161 : vector<16xi32>
      %gather3A_163 = tpu.vector_load_idx %arg14[%add3A_121, %add3A_162] : memref<256x128xf32, #tpu.memory_space<vmem>>[vector<16xi32>, vector<16xi32>], vector<16xf32>,
      %mul3A_164 = arith.mulf %gather3A_159, %gather3A_163 : vector<16xf32>
      %add3A_165 = arith.addf %add3A_155, %mul3A_164 : vector<16xf32>
      %add3A_166 = arith.constant 4 : i32
      %add3A_167 = vector.broadcast %add3A_166 : i32 to vector<16xi32>
      %add3A_168 = arith.addi %mul3A_88, %add3A_167 : vector<16xi32>
      %gather3A_169 = tpu.vector_load_idx %arg13[%add3A_121, %add3A_168] : memref<256x128xf32, #tpu.memory_space<vmem>>[vector<16xi32>, vector<16xi32>], vector<16xf32>,
      %add3A_170 = arith.constant 4 : i32
      %add3A_171 = vector.broadcast %add3A_170 : i32 to vector<16xi32>
      %add3A_172 = arith.addi %mul3A_117, %add3A_171 : vector<16xi32>
      %gather3A_173 = tpu.vector_load_idx %arg14[%add3A_121, %add3A_172] : memref<256x128xf32, #tpu.memory_space<vmem>>[vector<16xi32>, vector<16xi32>], vector<16xf32>,
      %mul3A_174 = arith.mulf %gather3A_169, %gather3A_173 : vector<16xf32>
      %add3A_175 = arith.addf %add3A_165, %mul3A_174 : vector<16xf32>
      %add3A_176 = arith.constant 5 : i32
      %add3A_177 = vector.broadcast %add3A_176 : i32 to vector<16xi32>
      %add3A_178 = arith.addi %mul3A_88, %add3A_177 : vector<16xi32>
      %gather3A_179 = tpu.vector_load_idx %arg13[%add3A_121, %add3A_178] : memref<256x128xf32, #tpu.memory_space<vmem>>[vector<16xi32>, vector<16xi32>], vector<16xf32>,
      %add3A_180 = arith.constant 5 : i32
      %add3A_181 = vector.broadcast %add3A_180 : i32 to vector<16xi32>
      %add3A_182 = arith.addi %mul3A_117, %add3A_181 : vector<16xi32>
      %gather3A_183 = tpu.vector_load_idx %arg14[%add3A_121, %add3A_182] : memref<256x128xf32, #tpu.memory_space<vmem>>[vector<16xi32>, vector<16xi32>], vector<16xf32>,
      %mul3A_184 = arith.mulf %gather3A_179, %gather3A_183 : vector<16xf32>
      %add3A_185 = arith.addf %add3A_175, %mul3A_184 : vector<16xf32>
      %add3A_186 = arith.constant 6 : i32
      %add3A_187 = vector.broadcast %add3A_186 : i32 to vector<16xi32>
      %add3A_188 = arith.addi %mul3A_88, %add3A_187 : vector<16xi32>
      %gather3A_189 = tpu.vector_load_idx %arg13[%add3A_121, %add3A_188] : memref<256x128xf32, #tpu.memory_space<vmem>>[vector<16xi32>, vector<16xi32>], vector<16xf32>,
      %add3A_190 = arith.constant 6 : i32
      %add3A_191 = vector.broadcast %add3A_190 : i32 to vector<16xi32>
      %add3A_192 = arith.addi %mul3A_117, %add3A_191 : vector<16xi32>
      %gather3A_193 = tpu.vector_load_idx %arg14[%add3A_121, %add3A_192] : memref<256x128xf32, #tpu.memory_space<vmem>>[vector<16xi32>, vector<16xi32>], vector<16xf32>,
      %mul3A_194 = arith.mulf %gather3A_189, %gather3A_193 : vector<16xf32>
      %add3A_195 = arith.addf %add3A_185, %mul3A_194 : vector<16xf32>
      %add3A_196 = arith.constant 7 : i32
      %add3A_197 = vector.broadcast %add3A_196 : i32 to vector<16xi32>
      %add3A_198 = arith.addi %mul3A_88, %add3A_197 : vector<16xi32>
      %gather3A_199 = tpu.vector_load_idx %arg13[%add3A_121, %add3A_198] : memref<256x128xf32, #tpu.memory_space<vmem>>[vector<16xi32>, vector<16xi32>], vector<16xf32>,
      %add3A_200 = arith.constant 7 : i32
      %add3A_201 = vector.broadcast %add3A_200 : i32 to vector<16xi32>
      %add3A_202 = arith.addi %mul3A_117, %add3A_201 : vector<16xi32>
      %gather3A_203 = tpu.vector_load_idx %arg14[%add3A_121, %add3A_202] : memref<256x128xf32, #tpu.memory_space<vmem>>[vector<16xi32>, vector<16xi32>], vector<16xf32>,
      %mul3A_204 = arith.mulf %gather3A_199, %gather3A_203 : vector<16xf32>
      %add3A_205 = arith.addf %add3A_195, %mul3A_204 : vector<16xf32>
      %add3A_206 = arith.constant 8 : i32
      %add3A_207 = vector.broadcast %add3A_206 : i32 to vector<16xi32>
      %add3A_208 = arith.addi %mul3A_88, %add3A_207 : vector<16xi32>
      %gather3A_209 = tpu.vector_load_idx %arg13[%add3A_121, %add3A_208] : memref<256x128xf32, #tpu.memory_space<vmem>>[vector<16xi32>, vector<16xi32>], vector<16xf32>,
      %add3A_210 = arith.constant 8 : i32
      %add3A_211 = vector.broadcast %add3A_210 : i32 to vector<16xi32>
      %add3A_212 = arith.addi %mul3A_117, %add3A_211 : vector<16xi32>
      %gather3A_213 = tpu.vector_load_idx %arg14[%add3A_121, %add3A_212] : memref<256x128xf32, #tpu.memory_space<vmem>>[vector<16xi32>, vector<16xi32>], vector<16xf32>,
      %mul3A_214 = arith.mulf %gather3A_209, %gather3A_213 : vector<16xf32>
      %add3A_215 = arith.addf %add3A_205, %mul3A_214 : vector<16xf32>
      %add3A_216 = arith.constant 9 : i32
      %add3A_217 = vector.broadcast %add3A_216 : i32 to vector<16xi32>
      %add3A_218 = arith.addi %mul3A_88, %add3A_217 : vector<16xi32>
      %gather3A_219 = tpu.vector_load_idx %arg13[%add3A_121, %add3A_218] : memref<256x128xf32, #tpu.memory_space<vmem>>[vector<16xi32>, vector<16xi32>], vector<16xf32>,
      %add3A_220 = arith.constant 9 : i32
      %add3A_221 = vector.broadcast %add3A_220 : i32 to vector<16xi32>
      %add3A_222 = arith.addi %mul3A_117, %add3A_221 : vector<16xi32>
      %gather3A_223 = tpu.vector_load_idx %arg14[%add3A_121, %add3A_222] : memref<256x128xf32, #tpu.memory_space<vmem>>[vector<16xi32>, vector<16xi32>], vector<16xf32>,
      %mul3A_224 = arith.mulf %gather3A_219, %gather3A_223 : vector<16xf32>
      %add3A_225 = arith.addf %add3A_215, %mul3A_224 : vector<16xf32>
      %add3A_226 = arith.constant 10 : i32
      %add3A_227 = vector.broadcast %add3A_226 : i32 to vector<16xi32>
      %add3A_228 = arith.addi %mul3A_88, %add3A_227 : vector<16xi32>
      %gather3A_229 = tpu.vector_load_idx %arg13[%add3A_121, %add3A_228] : memref<256x128xf32, #tpu.memory_space<vmem>>[vector<16xi32>, vector<16xi32>], vector<16xf32>,
      %add3A_230 = arith.constant 10 : i32
      %add3A_231 = vector.broadcast %add3A_230 : i32 to vector<16xi32>
      %add3A_232 = arith.addi %mul3A_117, %add3A_231 : vector<16xi32>
      %gather3A_233 = tpu.vector_load_idx %arg14[%add3A_121, %add3A_232] : memref<256x128xf32, #tpu.memory_space<vmem>>[vector<16xi32>, vector<16xi32>], vector<16xf32>,
      %mul3A_234 = arith.mulf %gather3A_229, %gather3A_233 : vector<16xf32>
      %add3A_235 = arith.addf %add3A_225, %mul3A_234 : vector<16xf32>
      %add3A_236 = arith.constant 11 : i32
      %add3A_237 = vector.broadcast %add3A_236 : i32 to vector<16xi32>
      %add3A_238 = arith.addi %mul3A_88, %add3A_237 : vector<16xi32>
      %gather3A_239 = tpu.vector_load_idx %arg13[%add3A_121, %add3A_238] : memref<256x128xf32, #tpu.memory_space<vmem>>[vector<16xi32>, vector<16xi32>], vector<16xf32>,
      %add3A_240 = arith.constant 11 : i32
      %add3A_241 = vector.broadcast %add3A_240 : i32 to vector<16xi32>
      %add3A_242 = arith.addi %mul3A_117, %add3A_241 : vector<16xi32>
      %gather3A_243 = tpu.vector_load_idx %arg14[%add3A_121, %add3A_242] : memref<256x128xf32, #tpu.memory_space<vmem>>[vector<16xi32>, vector<16xi32>], vector<16xf32>,
      %mul3A_244 = arith.mulf %gather3A_239, %gather3A_243 : vector<16xf32>
      %add3A_245 = arith.addf %add3A_235, %mul3A_244 : vector<16xf32>
      %add3A_246 = arith.constant 12 : i32
      %add3A_247 = vector.broadcast %add3A_246 : i32 to vector<16xi32>
      %add3A_248 = arith.addi %mul3A_88, %add3A_247 : vector<16xi32>
      %gather3A_249 = tpu.vector_load_idx %arg13[%add3A_121, %add3A_248] : memref<256x128xf32, #tpu.memory_space<vmem>>[vector<16xi32>, vector<16xi32>], vector<16xf32>,
      %add3A_250 = arith.constant 12 : i32
      %add3A_251 = vector.broadcast %add3A_250 : i32 to vector<16xi32>
      %add3A_252 = arith.addi %mul3A_117, %add3A_251 : vector<16xi32>
      %gather3A_253 = tpu.vector_load_idx %arg14[%add3A_121, %add3A_252] : memref<256x128xf32, #tpu.memory_space<vmem>>[vector<16xi32>, vector<16xi32>], vector<16xf32>,
      %mul3A_254 = arith.mulf %gather3A_249, %gather3A_253 : vector<16xf32>
      %add3A_255 = arith.addf %add3A_245, %mul3A_254 : vector<16xf32>
      %add3A_256 = arith.constant 13 : i32
      %add3A_257 = vector.broadcast %add3A_256 : i32 to vector<16xi32>
      %add3A_258 = arith.addi %mul3A_88, %add3A_257 : vector<16xi32>
      %gather3A_259 = tpu.vector_load_idx %arg13[%add3A_121, %add3A_258] : memref<256x128xf32, #tpu.memory_space<vmem>>[vector<16xi32>, vector<16xi32>], vector<16xf32>,
      %add3A_260 = arith.constant 13 : i32
      %add3A_261 = vector.broadcast %add3A_260 : i32 to vector<16xi32>
      %add3A_262 = arith.addi %mul3A_117, %add3A_261 : vector<16xi32>
      %gather3A_263 = tpu.vector_load_idx %arg14[%add3A_121, %add3A_262] : memref<256x128xf32, #tpu.memory_space<vmem>>[vector<16xi32>, vector<16xi32>], vector<16xf32>,
      %mul3A_264 = arith.mulf %gather3A_259, %gather3A_263 : vector<16xf32>
      %add3A_265 = arith.addf %add3A_255, %mul3A_264 : vector<16xf32>
      %add3A_266 = arith.constant 14 : i32
      %add3A_267 = vector.broadcast %add3A_266 : i32 to vector<16xi32>
      %add3A_268 = arith.addi %mul3A_88, %add3A_267 : vector<16xi32>
      %gather3A_269 = tpu.vector_load_idx %arg13[%add3A_121, %add3A_268] : memref<256x128xf32, #tpu.memory_space<vmem>>[vector<16xi32>, vector<16xi32>], vector<16xf32>,
      %add3A_270 = arith.constant 14 : i32
      %add3A_271 = vector.broadcast %add3A_270 : i32 to vector<16xi32>
      %add3A_272 = arith.addi %mul3A_117, %add3A_271 : vector<16xi32>
      %gather3A_273 = tpu.vector_load_idx %arg14[%add3A_121, %add3A_272] : memref<256x128xf32, #tpu.memory_space<vmem>>[vector<16xi32>, vector<16xi32>], vector<16xf32>,
      %mul3A_274 = arith.mulf %gather3A_269, %gather3A_273 : vector<16xf32>
      %add3A_275 = arith.addf %add3A_265, %mul3A_274 : vector<16xf32>
      %add3A_276 = arith.constant 15 : i32
      %add3A_277 = vector.broadcast %add3A_276 : i32 to vector<16xi32>
      %add3A_278 = arith.addi %mul3A_88, %add3A_277 : vector<16xi32>
      %gather3A_279 = tpu.vector_load_idx %arg13[%add3A_121, %add3A_278] : memref<256x128xf32, #tpu.memory_space<vmem>>[vector<16xi32>, vector<16xi32>], vector<16xf32>,
      %add3A_280 = arith.constant 15 : i32
      %add3A_281 = vector.broadcast %add3A_280 : i32 to vector<16xi32>
      %add3A_282 = arith.addi %mul3A_117, %add3A_281 : vector<16xi32>
      %gather3A_283 = tpu.vector_load_idx %arg14[%add3A_121, %add3A_282] : memref<256x128xf32, #tpu.memory_space<vmem>>[vector<16xi32>, vector<16xi32>], vector<16xf32>,
      %mul3A_284 = arith.mulf %gather3A_279, %gather3A_283 : vector<16xf32>
      %add3A_285 = arith.addf %add3A_275, %mul3A_284 : vector<16xf32>
      %add3A_286 = arith.constant 16 : i32
      %add3A_287 = vector.broadcast %add3A_286 : i32 to vector<16xi32>
      %add3A_288 = arith.addi %mul3A_88, %add3A_287 : vector<16xi32>
      %gather3A_289 = tpu.vector_load_idx %arg13[%add3A_121, %add3A_288] : memref<256x128xf32, #tpu.memory_space<vmem>>[vector<16xi32>, vector<16xi32>], vector<16xf32>,
      %add3A_290 = arith.constant 16 : i32
      %add3A_291 = vector.broadcast %add3A_290 : i32 to vector<16xi32>
      %add3A_292 = arith.addi %mul3A_117, %add3A_291 : vector<16xi32>
      %gather3A_293 = tpu.vector_load_idx %arg14[%add3A_121, %add3A_292] : memref<256x128xf32, #tpu.memory_space<vmem>>[vector<16xi32>, vector<16xi32>], vector<16xf32>,
      %mul3A_294 = arith.mulf %gather3A_289, %gather3A_293 : vector<16xf32>
      %add3A_295 = arith.addf %add3A_285, %mul3A_294 : vector<16xf32>
      %add3A_296 = arith.constant 17 : i32
      %add3A_297 = vector.broadcast %add3A_296 : i32 to vector<16xi32>
      %add3A_298 = arith.addi %mul3A_88, %add3A_297 : vector<16xi32>
      %gather3A_299 = tpu.vector_load_idx %arg13[%add3A_121, %add3A_298] : memref<256x128xf32, #tpu.memory_space<vmem>>[vector<16xi32>, vector<16xi32>], vector<16xf32>,
      %add3A_300 = arith.constant 17 : i32
      %add3A_301 = vector.broadcast %add3A_300 : i32 to vector<16xi32>
      %add3A_302 = arith.addi %mul3A_117, %add3A_301 : vector<16xi32>
      %gather3A_303 = tpu.vector_load_idx %arg14[%add3A_121, %add3A_302] : memref<256x128xf32, #tpu.memory_space<vmem>>[vector<16xi32>, vector<16xi32>], vector<16xf32>,
      %mul3A_304 = arith.mulf %gather3A_299, %gather3A_303 : vector<16xf32>
      %add3A_305 = arith.addf %add3A_295, %mul3A_304 : vector<16xf32>
      %add3A_306 = arith.constant 18 : i32
      %add3A_307 = vector.broadcast %add3A_306 : i32 to vector<16xi32>
      %add3A_308 = arith.addi %mul3A_88, %add3A_307 : vector<16xi32>
      %gather3A_309 = tpu.vector_load_idx %arg13[%add3A_121, %add3A_308] : memref<256x128xf32, #tpu.memory_space<vmem>>[vector<16xi32>, vector<16xi32>], vector<16xf32>,
      %add3A_310 = arith.constant 18 : i32
      %add3A_311 = vector.broadcast %add3A_310 : i32 to vector<16xi32>
      %add3A_312 = arith.addi %mul3A_117, %add3A_311 : vector<16xi32>
      %gather3A_313 = tpu.vector_load_idx %arg14[%add3A_121, %add3A_312] : memref<256x128xf32, #tpu.memory_space<vmem>>[vector<16xi32>, vector<16xi32>], vector<16xf32>,
      %mul3A_314 = arith.mulf %gather3A_309, %gather3A_313 : vector<16xf32>
      %add3A_315 = arith.addf %add3A_305, %mul3A_314 : vector<16xf32>
      %add3A_316 = arith.constant 19 : i32
      %add3A_317 = vector.broadcast %add3A_316 : i32 to vector<16xi32>
      %add3A_318 = arith.addi %mul3A_88, %add3A_317 : vector<16xi32>
      %gather3A_319 = tpu.vector_load_idx %arg13[%add3A_121, %add3A_318] : memref<256x128xf32, #tpu.memory_space<vmem>>[vector<16xi32>, vector<16xi32>], vector<16xf32>,
      %add3A_320 = arith.constant 19 : i32
      %add3A_321 = vector.broadcast %add3A_320 : i32 to vector<16xi32>
      %add3A_322 = arith.addi %mul3A_117, %add3A_321 : vector<16xi32>
      %gather3A_323 = tpu.vector_load_idx %arg14[%add3A_121, %add3A_322] : memref<256x128xf32, #tpu.memory_space<vmem>>[vector<16xi32>, vector<16xi32>], vector<16xf32>,
      %mul3A_324 = arith.mulf %gather3A_319, %gather3A_323 : vector<16xf32>
      %add3A_325 = arith.addf %add3A_315, %mul3A_324 : vector<16xf32>
      %add3A_326 = arith.constant 20 : i32
      %add3A_327 = vector.broadcast %add3A_326 : i32 to vector<16xi32>
      %add3A_328 = arith.addi %mul3A_88, %add3A_327 : vector<16xi32>
      %gather3A_329 = tpu.vector_load_idx %arg13[%add3A_121, %add3A_328] : memref<256x128xf32, #tpu.memory_space<vmem>>[vector<16xi32>, vector<16xi32>], vector<16xf32>,
      %add3A_330 = arith.constant 20 : i32
      %add3A_331 = vector.broadcast %add3A_330 : i32 to vector<16xi32>
      %add3A_332 = arith.addi %mul3A_117, %add3A_331 : vector<16xi32>
      %gather3A_333 = tpu.vector_load_idx %arg14[%add3A_121, %add3A_332] : memref<256x128xf32, #tpu.memory_space<vmem>>[vector<16xi32>, vector<16xi32>], vector<16xf32>,
      %mul3A_334 = arith.mulf %gather3A_329, %gather3A_333 : vector<16xf32>
      %add3A_335 = arith.addf %add3A_325, %mul3A_334 : vector<16xf32>
      %add3A_336 = arith.constant 21 : i32
      %add3A_337 = vector.broadcast %add3A_336 : i32 to vector<16xi32>
      %add3A_338 = arith.addi %mul3A_88, %add3A_337 : vector<16xi32>
      %gather3A_339 = tpu.vector_load_idx %arg13[%add3A_121, %add3A_338] : memref<256x128xf32, #tpu.memory_space<vmem>>[vector<16xi32>, vector<16xi32>], vector<16xf32>,
      %add3A_340 = arith.constant 21 : i32
      %add3A_341 = vector.broadcast %add3A_340 : i32 to vector<16xi32>
      %add3A_342 = arith.addi %mul3A_117, %add3A_341 : vector<16xi32>
      %gather3A_343 = tpu.vector_load_idx %arg14[%add3A_121, %add3A_342] : memref<256x128xf32, #tpu.memory_space<vmem>>[vector<16xi32>, vector<16xi32>], vector<16xf32>,
      %mul3A_344 = arith.mulf %gather3A_339, %gather3A_343 : vector<16xf32>
      %add3A_345 = arith.addf %add3A_335, %mul3A_344 : vector<16xf32>
      %add3A_346 = arith.constant 22 : i32
      %add3A_347 = vector.broadcast %add3A_346 : i32 to vector<16xi32>
      %add3A_348 = arith.addi %mul3A_88, %add3A_347 : vector<16xi32>
      %gather3A_349 = tpu.vector_load_idx %arg13[%add3A_121, %add3A_348] : memref<256x128xf32, #tpu.memory_space<vmem>>[vector<16xi32>, vector<16xi32>], vector<16xf32>,
      %add3A_350 = arith.constant 22 : i32
      %add3A_351 = vector.broadcast %add3A_350 : i32 to vector<16xi32>
      %add3A_352 = arith.addi %mul3A_117, %add3A_351 : vector<16xi32>
      %gather3A_353 = tpu.vector_load_idx %arg14[%add3A_121, %add3A_352] : memref<256x128xf32, #tpu.memory_space<vmem>>[vector<16xi32>, vector<16xi32>], vector<16xf32>,
      %mul3A_354 = arith.mulf %gather3A_349, %gather3A_353 : vector<16xf32>
      %add3A_355 = arith.addf %add3A_345, %mul3A_354 : vector<16xf32>
      %add3A_356 = arith.constant 23 : i32
      %add3A_357 = vector.broadcast %add3A_356 : i32 to vector<16xi32>
      %add3A_358 = arith.addi %mul3A_88, %add3A_357 : vector<16xi32>
      %gather3A_359 = tpu.vector_load_idx %arg13[%add3A_121, %add3A_358] : memref<256x128xf32, #tpu.memory_space<vmem>>[vector<16xi32>, vector<16xi32>], vector<16xf32>,
      %add3A_360 = arith.constant 23 : i32
      %add3A_361 = vector.broadcast %add3A_360 : i32 to vector<16xi32>
      %add3A_362 = arith.addi %mul3A_117, %add3A_361 : vector<16xi32>
      %gather3A_363 = tpu.vector_load_idx %arg14[%add3A_121, %add3A_362] : memref<256x128xf32, #tpu.memory_space<vmem>>[vector<16xi32>, vector<16xi32>], vector<16xf32>,
      %mul3A_364 = arith.mulf %gather3A_359, %gather3A_363 : vector<16xf32>
      %add3A_365 = arith.addf %add3A_355, %mul3A_364 : vector<16xf32>
      %add3A_366 = arith.constant 24 : i32
      %add3A_367 = vector.broadcast %add3A_366 : i32 to vector<16xi32>
      %add3A_368 = arith.addi %mul3A_88, %add3A_367 : vector<16xi32>
      %gather3A_369 = tpu.vector_load_idx %arg13[%add3A_121, %add3A_368] : memref<256x128xf32, #tpu.memory_space<vmem>>[vector<16xi32>, vector<16xi32>], vector<16xf32>,
      %add3A_370 = arith.constant 24 : i32
      %add3A_371 = vector.broadcast %add3A_370 : i32 to vector<16xi32>
      %add3A_372 = arith.addi %mul3A_117, %add3A_371 : vector<16xi32>
      %gather3A_373 = tpu.vector_load_idx %arg14[%add3A_121, %add3A_372] : memref<256x128xf32, #tpu.memory_space<vmem>>[vector<16xi32>, vector<16xi32>], vector<16xf32>,
      %mul3A_374 = arith.mulf %gather3A_369, %gather3A_373 : vector<16xf32>
      %add3A_375 = arith.addf %add3A_365, %mul3A_374 : vector<16xf32>
      %add3A_376 = arith.constant 25 : i32
      %add3A_377 = vector.broadcast %add3A_376 : i32 to vector<16xi32>
      %add3A_378 = arith.addi %mul3A_88, %add3A_377 : vector<16xi32>
      %gather3A_379 = tpu.vector_load_idx %arg13[%add3A_121, %add3A_378] : memref<256x128xf32, #tpu.memory_space<vmem>>[vector<16xi32>, vector<16xi32>], vector<16xf32>,
      %add3A_380 = arith.constant 25 : i32
      %add3A_381 = vector.broadcast %add3A_380 : i32 to vector<16xi32>
      %add3A_382 = arith.addi %mul3A_117, %add3A_381 : vector<16xi32>
      %gather3A_383 = tpu.vector_load_idx %arg14[%add3A_121, %add3A_382] : memref<256x128xf32, #tpu.memory_space<vmem>>[vector<16xi32>, vector<16xi32>], vector<16xf32>,
      %mul3A_384 = arith.mulf %gather3A_379, %gather3A_383 : vector<16xf32>
      %add3A_385 = arith.addf %add3A_375, %mul3A_384 : vector<16xf32>
      %add3A_386 = arith.constant 26 : i32
      %add3A_387 = vector.broadcast %add3A_386 : i32 to vector<16xi32>
      %add3A_388 = arith.addi %mul3A_88, %add3A_387 : vector<16xi32>
      %gather3A_389 = tpu.vector_load_idx %arg13[%add3A_121, %add3A_388] : memref<256x128xf32, #tpu.memory_space<vmem>>[vector<16xi32>, vector<16xi32>], vector<16xf32>,
      %add3A_390 = arith.constant 26 : i32
      %add3A_391 = vector.broadcast %add3A_390 : i32 to vector<16xi32>
      %add3A_392 = arith.addi %mul3A_117, %add3A_391 : vector<16xi32>
      %gather3A_393 = tpu.vector_load_idx %arg14[%add3A_121, %add3A_392] : memref<256x128xf32, #tpu.memory_space<vmem>>[vector<16xi32>, vector<16xi32>], vector<16xf32>,
      %mul3A_394 = arith.mulf %gather3A_389, %gather3A_393 : vector<16xf32>
      %add3A_395 = arith.addf %add3A_385, %mul3A_394 : vector<16xf32>
      %add3A_396 = arith.constant 27 : i32
      %add3A_397 = vector.broadcast %add3A_396 : i32 to vector<16xi32>
      %add3A_398 = arith.addi %mul3A_88, %add3A_397 : vector<16xi32>
      %gather3A_399 = tpu.vector_load_idx %arg13[%add3A_121, %add3A_398] : memref<256x128xf32, #tpu.memory_space<vmem>>[vector<16xi32>, vector<16xi32>], vector<16xf32>,
      %add3A_400 = arith.constant 27 : i32
      %add3A_401 = vector.broadcast %add3A_400 : i32 to vector<16xi32>
      %add3A_402 = arith.addi %mul3A_117, %add3A_401 : vector<16xi32>
      %gather3A_403 = tpu.vector_load_idx %arg14[%add3A_121, %add3A_402] : memref<256x128xf32, #tpu.memory_space<vmem>>[vector<16xi32>, vector<16xi32>], vector<16xf32>,
      %mul3A_404 = arith.mulf %gather3A_399, %gather3A_403 : vector<16xf32>
      %add3A_405 = arith.addf %add3A_395, %mul3A_404 : vector<16xf32>
      %add3A_406 = arith.constant 28 : i32
      %add3A_407 = vector.broadcast %add3A_406 : i32 to vector<16xi32>
      %add3A_408 = arith.addi %mul3A_88, %add3A_407 : vector<16xi32>
      %gather3A_409 = tpu.vector_load_idx %arg13[%add3A_121, %add3A_408] : memref<256x128xf32, #tpu.memory_space<vmem>>[vector<16xi32>, vector<16xi32>], vector<16xf32>,
      %add3A_410 = arith.constant 28 : i32
      %add3A_411 = vector.broadcast %add3A_410 : i32 to vector<16xi32>
      %add3A_412 = arith.addi %mul3A_117, %add3A_411 : vector<16xi32>
      %gather3A_413 = tpu.vector_load_idx %arg14[%add3A_121, %add3A_412] : memref<256x128xf32, #tpu.memory_space<vmem>>[vector<16xi32>, vector<16xi32>], vector<16xf32>,
      %mul3A_414 = arith.mulf %gather3A_409, %gather3A_413 : vector<16xf32>
      %add3A_415 = arith.addf %add3A_405, %mul3A_414 : vector<16xf32>
      %add3A_416 = arith.constant 29 : i32
      %add3A_417 = vector.broadcast %add3A_416 : i32 to vector<16xi32>
      %add3A_418 = arith.addi %mul3A_88, %add3A_417 : vector<16xi32>
      %gather3A_419 = tpu.vector_load_idx %arg13[%add3A_121, %add3A_418] : memref<256x128xf32, #tpu.memory_space<vmem>>[vector<16xi32>, vector<16xi32>], vector<16xf32>,
      %add3A_420 = arith.constant 29 : i32
      %add3A_421 = vector.broadcast %add3A_420 : i32 to vector<16xi32>
      %add3A_422 = arith.addi %mul3A_117, %add3A_421 : vector<16xi32>
      %gather3A_423 = tpu.vector_load_idx %arg14[%add3A_121, %add3A_422] : memref<256x128xf32, #tpu.memory_space<vmem>>[vector<16xi32>, vector<16xi32>], vector<16xf32>,
      %mul3A_424 = arith.mulf %gather3A_419, %gather3A_423 : vector<16xf32>
      %add3A_425 = arith.addf %add3A_415, %mul3A_424 : vector<16xf32>
      %add3A_426 = arith.constant 30 : i32
      %add3A_427 = vector.broadcast %add3A_426 : i32 to vector<16xi32>
      %add3A_428 = arith.addi %mul3A_88, %add3A_427 : vector<16xi32>
      %gather3A_429 = tpu.vector_load_idx %arg13[%add3A_121, %add3A_428] : memref<256x128xf32, #tpu.memory_space<vmem>>[vector<16xi32>, vector<16xi32>], vector<16xf32>,
      %add3A_430 = arith.constant 30 : i32
      %add3A_431 = vector.broadcast %add3A_430 : i32 to vector<16xi32>
      %add3A_432 = arith.addi %mul3A_117, %add3A_431 : vector<16xi32>
      %gather3A_433 = tpu.vector_load_idx %arg14[%add3A_121, %add3A_432] : memref<256x128xf32, #tpu.memory_space<vmem>>[vector<16xi32>, vector<16xi32>], vector<16xf32>,
      %mul3A_434 = arith.mulf %gather3A_429, %gather3A_433 : vector<16xf32>
      %add3A_435 = arith.addf %add3A_425, %mul3A_434 : vector<16xf32>
      %add3A_436 = arith.constant 31 : i32
      %add3A_437 = vector.broadcast %add3A_436 : i32 to vector<16xi32>
      %add3A_438 = arith.addi %mul3A_88, %add3A_437 : vector<16xi32>
      %gather3A_439 = tpu.vector_load_idx %arg13[%add3A_121, %add3A_438] : memref<256x128xf32, #tpu.memory_space<vmem>>[vector<16xi32>, vector<16xi32>], vector<16xf32>,
      %add3A_440 = arith.constant 31 : i32
      %add3A_441 = vector.broadcast %add3A_440 : i32 to vector<16xi32>
      %add3A_442 = arith.addi %mul3A_117, %add3A_441 : vector<16xi32>
      %gather3A_443 = tpu.vector_load_idx %arg14[%add3A_121, %add3A_442] : memref<256x128xf32, #tpu.memory_space<vmem>>[vector<16xi32>, vector<16xi32>], vector<16xf32>,
      %mul3A_444 = arith.mulf %gather3A_439, %gather3A_443 : vector<16xf32>
      %add3A_445 = arith.addf %add3A_435, %mul3A_444 : vector<16xf32>
      %swap3A = arith.index_cast %add3A_60 : i32 to index
      %swap3A_446 = tpu.vector_load %arg17[%swap3A] {strides = array<i32>} : memref<512xf32, #tpu.memory_space<vmem>>, vector<16xf32>,
      tpu.vector_store %arg17[%swap3A], %add3A_445 {strides = array<i32>} : memref<512xf32, #tpu.memory_space<vmem>>, vector<16xf32>,
    }
    %scan3A_55 = arith.constant 16 : i32
    "tpu.region"() ({
      %run_scoped3A = tpu.sem_alloc : memref<!tpu.dma_semaphore, #tpu.memory_space<semaphore_mem>>
      %dma_start3A_56 = tpu.memref_slice %arg8[%mul3A_2] : memref<16384xf32, #tpu.memory_space<hbm>> -> memref<512xf32, #tpu.memory_space<hbm>>
      %dma_start3A_57 = tpu.memref_slice %arg8[%mul3A_2] : memref<16384xf32, #tpu.memory_space<hbm>> -> memref<512xf32, #tpu.memory_space<hbm>>
      tpu.enqueue_dma source(%arg17 : memref<512xf32, #tpu.memory_space<vmem>>) target(%dma_start3A_57 : memref<512xf32, #tpu.memory_space<hbm>>) target_semaphore(%run_scoped3A : memref<!tpu.dma_semaphore, #tpu.memory_space<semaphore_mem>>)
      %dma_wait3A_58 = tpu.memref_slice %arg8[%mul3A_2] : memref<16384xf32, #tpu.memory_space<hbm>> -> memref<512xf32, #tpu.memory_space<hbm>>
      %dma_wait3A_59 = tpu.memref_slice %arg8[%mul3A_2] : memref<16384xf32, #tpu.memory_space<hbm>> -> memref<512xf32, #tpu.memory_space<hbm>>
      tpu.wait_dma2 semaphore(%run_scoped3A : memref<!tpu.dma_semaphore, #tpu.memory_space<semaphore_mem>>) src(%arg17 : memref<512xf32, #tpu.memory_space<vmem>>) dst(%dma_wait3A_59 : memref<512xf32, #tpu.memory_space<hbm>>)
      tpu.yield
    }) : () -> ()
    return
  }
}

module attributes {stable_mosaic.version = 14 : i64} {
  func.func @_repack_body(%arg0: i32, %arg1: memref<32x8192xf32, #tpu.memory_space<vmem>>, %arg2: memref<32x8192xf32, #tpu.memory_space<vmem>>, %arg3: memref<32x8192xf32, #tpu.memory_space<vmem>>, %arg4: memref<32x8192xf32, #tpu.memory_space<vmem>>, %arg5: memref<32x8192xf32, #tpu.memory_space<vmem>>, %arg6: memref<32x8192xf32, #tpu.memory_space<vmem>>, %arg7: memref<32x8192xf32, #tpu.memory_space<vmem>>, %arg8: memref<32x8192xf32, #tpu.memory_space<vmem>>, %arg9: memref<8192x128xf32, #tpu.memory_space<vmem>>, %arg10: memref<8192x128xf32, #tpu.memory_space<vmem>>) attributes {dimension_semantics = [#tpu.dimension_semantics<arbitrary>], iteration_bounds = array<i64: 31>, scalar_prefetch = 0 : i64, scratch_operands = 0 : i64, tpu.core_type = #tpu.core_type<tc>, window_params = [{transform_indices = @transform_0, window_bounds = array<i64: 32, 8192>}, {transform_indices = @transform_1, window_bounds = array<i64: 32, 8192>}, {transform_indices = @transform_2, window_bounds = array<i64: 32, 8192>}, {transform_indices = @transform_3, window_bounds = array<i64: 32, 8192>}, {transform_indices = @transform_4, window_bounds = array<i64: 32, 8192>}, {transform_indices = @transform_5, window_bounds = array<i64: 32, 8192>}, {transform_indices = @transform_6, window_bounds = array<i64: 32, 8192>}, {transform_indices = @transform_7, window_bounds = array<i64: 32, 8192>}, {transform_indices = @transform_8, window_bounds = array<i64: 8192, 128>}, {transform_indices = @transform_9, window_bounds = array<i64: 8192, 128>}]} {
    %get3A = arith.constant 0 : index
    %get3A_0 = arith.constant 0 : index
    %get3A_1 = vector.load %arg1[%get3A, %get3A_0] : memref<32x8192xf32, #tpu.memory_space<vmem>>, vector<32x8192xf32>
    %get3A_2 = arith.constant 0 : index
    %get3A_3 = arith.constant 0 : index
    %get3A_4 = vector.load %arg2[%get3A_2, %get3A_3] : memref<32x8192xf32, #tpu.memory_space<vmem>>, vector<32x8192xf32>
    %get3A_5 = arith.constant 0 : index
    %get3A_6 = arith.constant 0 : index
    %get3A_7 = vector.load %arg3[%get3A_5, %get3A_6] : memref<32x8192xf32, #tpu.memory_space<vmem>>, vector<32x8192xf32>
    %get3A_8 = arith.constant 0 : index
    %get3A_9 = arith.constant 0 : index
    %get3A_10 = vector.load %arg4[%get3A_8, %get3A_9] : memref<32x8192xf32, #tpu.memory_space<vmem>>, vector<32x8192xf32>
    %concatenate3A = tpu.concatenate %get3A_1, %get3A_4, %get3A_7, %get3A_10 in 0 : vector<32x8192xf32>, vector<32x8192xf32>, vector<32x8192xf32>, vector<32x8192xf32> -> vector<128x8192xf32>
    %transpose3A = tpu.transpose %concatenate3A, [1, 0] : vector<128x8192xf32> -> vector<8192x128xf32>
    %swap3A = arith.constant 0 : index
    %swap3A_11 = arith.constant 0 : index
    %swap3A_12 = vector.load %arg9[%swap3A, %swap3A_11] : memref<8192x128xf32, #tpu.memory_space<vmem>>, vector<8192x128xf32>
    tpu.vector_store %arg9[%swap3A, %swap3A_11], %transpose3A {strides = array<i32>} : memref<8192x128xf32, #tpu.memory_space<vmem>>, vector<8192x128xf32>,
    %get3A_13 = arith.constant 0 : index
    %get3A_14 = arith.constant 0 : index
    %get3A_15 = vector.load %arg5[%get3A_13, %get3A_14] : memref<32x8192xf32, #tpu.memory_space<vmem>>, vector<32x8192xf32>
    %get3A_16 = arith.constant 0 : index
    %get3A_17 = arith.constant 0 : index
    %get3A_18 = vector.load %arg6[%get3A_16, %get3A_17] : memref<32x8192xf32, #tpu.memory_space<vmem>>, vector<32x8192xf32>
    %get3A_19 = arith.constant 0 : index
    %get3A_20 = arith.constant 0 : index
    %get3A_21 = vector.load %arg7[%get3A_19, %get3A_20] : memref<32x8192xf32, #tpu.memory_space<vmem>>, vector<32x8192xf32>
    %get3A_22 = arith.constant 0 : index
    %get3A_23 = arith.constant 0 : index
    %get3A_24 = vector.load %arg8[%get3A_22, %get3A_23] : memref<32x8192xf32, #tpu.memory_space<vmem>>, vector<32x8192xf32>
    %concatenate3A_25 = tpu.concatenate %get3A_15, %get3A_18, %get3A_21, %get3A_24 in 0 : vector<32x8192xf32>, vector<32x8192xf32>, vector<32x8192xf32>, vector<32x8192xf32> -> vector<128x8192xf32>
    %transpose3A_26 = tpu.transpose %concatenate3A_25, [1, 0] : vector<128x8192xf32> -> vector<8192x128xf32>
    %swap3A_27 = arith.constant 0 : index
    %swap3A_28 = arith.constant 0 : index
    %swap3A_29 = vector.load %arg10[%swap3A_27, %swap3A_28] : memref<8192x128xf32, #tpu.memory_space<vmem>>, vector<8192x128xf32>
    tpu.vector_store %arg10[%swap3A_27, %swap3A_28], %transpose3A_26 {strides = array<i32>} : memref<8192x128xf32, #tpu.memory_space<vmem>>, vector<8192x128xf32>,
    return
  }
  func.func @transform_0(%arg0: i32) -> (i32, i32) {
    %add3A = arith.constant 0 : i32
    %add3A_0 = arith.addi %add3A, %arg0 : i32
    %min3A = arith.constant 122 : i32
    %min3A_1 = arith.minsi %add3A_0, %min3A : i32
    %c0_i32 = arith.constant 0 : i32
    %c0_i32_2 = arith.constant 0 : i32
    return %c0_i32, %min3A_1 : i32, i32
  }
  func.func @transform_1(%arg0: i32) -> (i32, i32) {
    %add3A = arith.constant 31 : i32
    %add3A_0 = arith.addi %add3A, %arg0 : i32
    %min3A = arith.constant 122 : i32
    %min3A_1 = arith.minsi %add3A_0, %min3A : i32
    %c0_i32 = arith.constant 0 : i32
    %c0_i32_2 = arith.constant 0 : i32
    return %c0_i32, %min3A_1 : i32, i32
  }
  func.func @transform_2(%arg0: i32) -> (i32, i32) {
    %add3A = arith.constant 62 : i32
    %add3A_0 = arith.addi %add3A, %arg0 : i32
    %min3A = arith.constant 122 : i32
    %min3A_1 = arith.minsi %add3A_0, %min3A : i32
    %c0_i32 = arith.constant 0 : i32
    %c0_i32_2 = arith.constant 0 : i32
    return %c0_i32, %min3A_1 : i32, i32
  }
  func.func @transform_3(%arg0: i32) -> (i32, i32) {
    %add3A = arith.constant 93 : i32
    %add3A_0 = arith.addi %add3A, %arg0 : i32
    %min3A = arith.constant 122 : i32
    %min3A_1 = arith.minsi %add3A_0, %min3A : i32
    %c0_i32 = arith.constant 0 : i32
    %c0_i32_2 = arith.constant 0 : i32
    return %c0_i32, %min3A_1 : i32, i32
  }
  func.func @transform_4(%arg0: i32) -> (i32, i32) {
    %add3A = arith.constant 0 : i32
    %add3A_0 = arith.addi %add3A, %arg0 : i32
    %min3A = arith.constant 122 : i32
    %min3A_1 = arith.minsi %add3A_0, %min3A : i32
    %c0_i32 = arith.constant 0 : i32
    %c0_i32_2 = arith.constant 0 : i32
    return %c0_i32, %min3A_1 : i32, i32
  }
  func.func @transform_5(%arg0: i32) -> (i32, i32) {
    %add3A = arith.constant 31 : i32
    %add3A_0 = arith.addi %add3A, %arg0 : i32
    %min3A = arith.constant 122 : i32
    %min3A_1 = arith.minsi %add3A_0, %min3A : i32
    %c0_i32 = arith.constant 0 : i32
    %c0_i32_2 = arith.constant 0 : i32
    return %c0_i32, %min3A_1 : i32, i32
  }
  func.func @transform_6(%arg0: i32) -> (i32, i32) {
    %add3A = arith.constant 62 : i32
    %add3A_0 = arith.addi %add3A, %arg0 : i32
    %min3A = arith.constant 122 : i32
    %min3A_1 = arith.minsi %add3A_0, %min3A : i32
    %c0_i32 = arith.constant 0 : i32
    %c0_i32_2 = arith.constant 0 : i32
    return %c0_i32, %min3A_1 : i32, i32
  }
  func.func @transform_7(%arg0: i32) -> (i32, i32) {
    %add3A = arith.constant 93 : i32
    %add3A_0 = arith.addi %add3A, %arg0 : i32
    %min3A = arith.constant 122 : i32
    %min3A_1 = arith.minsi %add3A_0, %min3A : i32
    %c0_i32 = arith.constant 0 : i32
    %c0_i32_2 = arith.constant 0 : i32
    return %c0_i32, %min3A_1 : i32, i32
  }
  func.func @transform_8(%arg0: i32) -> (i32, i32) {
    %c0_i32 = arith.constant 0 : i32
    %c0_i32_0 = arith.constant 0 : i32
    return %arg0, %c0_i32 : i32, i32
  }
  func.func @transform_9(%arg0: i32) -> (i32, i32) {
    %c0_i32 = arith.constant 0 : i32
    %c0_i32_0 = arith.constant 0 : i32
    return %arg0, %c0_i32 : i32, i32
  }
}

</mosaic_0001>

<sc_bundles>
// kernel: kernel.4.cloned.1.call-start
scs
__scs_entry_jumppad:
0x0: {  	(pc) =	sbr.rel $0x88, $3  }
0x1: {  	(tag) =	ssettag $0x0;
	lr =	simm.s32 $0x1  }
0x2: {  	[smem:$0x3F9B] =	sst lr;
	_ =	strace $0xD0000000  }
0x3: {  	_ = 	snop  }
0x4: {  	_ = 	snop  }
0x5: {  	_ = 	snop  }
0x6: {  	_ = 	snop  }
0x7: {  	_ = 	snop  }
__scs_overlays_trampoline_lowered:
0x8: {  	[smem:$0x3FAA] =	sst s0  }
0x9: {  	[smem:$0x3FAB] =	sst s1  }
0xa: {  	[smem:$0x3FAC] =	sst s2  }
0xb: {  	[smem:$0x3FAD] =	sst s3  }
0xc: {  	[smem:$0x3FAE] =	sst s4  }
0xd: {  	[smem:$0x3FAF] =	sst s5  }
0xe: {  	[smem:$0x3FB0] =	sst s6  }
0xf: {  	[smem:$0x3FB1] =	sst s7  }
0x10: {  	[smem:$0x3FB2] =	sst s8  }
0x11: {  	[smem:$0x3FB3] =	sst s9;
	s0 =	simm.s32 @!p0 $0x0  }
0x12: {  	s1 =	sld [smem:$0x3F99];
	s0 =	simm.s32 @p0 $0x1  }
0x13: {  	[smem:$0x3FB4] =	sst s0;
	s0 =	simm.s32 @!p1 $0x0  }
0x14: {  	s2 =	sld [smem:$0x3F98];
	s0 =	simm.s32 @p1 $0x1  }
0x15: {  	[smem:$0x3FB5] =	sst s0;
	s0 =	simm.s32 @!p2 $0x0  }
0x16: {  	s3 =	sld [smem:$0x3FDB];
	s0 =	simm.s32 @p2 $0x1  }
0x17: {  	s4 =	simm.s32 $0x1BF5;
	[smem:$0x3FB7] =	sst s0  }
0x18: {  	s0 =	sld [smem:$0x3F9A];
	_ =	swait.ge [sflag:s4], $0x0  }
0x19: {  	s7 =	sld [smem:$0x3F9B]  }
0x1a: {  	s8 =	sadd.s32 $0xFFFFE003, lr  }
0x1b: {  	s9 =	sadd.s32 $0xFFFFFEF7, lr;
	s5 =	simm.s32 $0xFFFFFFFF;
	p2 =	slt.u32 s8, $0xFFFFF086  }
0x1c: {  	p1 =	slt.u32 s9, $0xF7A;
	s5 =	simm.s32 @!p2 $0x0  }
0x1d: {  	s5 =	simm.s32 @p1 $0x1;
	p0 =	seq.s32 s7, s2  }
0x1e: {  	s7 =	smul.u32 @!p0 $0xF7A, s2;
	p2 =	seq.s32 @!p0 s5, $0x0  }
0x1f: {  	s9 =	smul.u32 $0xF7A, s1;
	s8 =	simm.s32 @!p0 $0x1BF5;
	p2 =	por !p2, p0  }
0x20: {  	[sflag:s8] =	ssyncset.s32 @!p0 $0xFFFFF086;
	s6 =	sadd.s32 @!p0 s3, s7;
	s7 =	simm.s32 @!p0 $0x108  }
0x21: {  	s3 =	sadd.s32 s3, s9;
	s6 =	sadd.s32 @!p0 $0x88, s6;
	s7 =	simm.s32 @p2 $0x1082  }
0x22: {  	[simem:s7], [sflag:s8] =	dma.local @!p0 [hbm:s6], $0xF7A  }
0x23: {  	s9 =	sor.u32 $0xD0000000, s2;
	s6 =	simm.s32 $0x108;
	_ =	swait.ge @!p0 [sflag:s8], $0x0  }
0x24: {  	s3 =	sadd.s32 $0x88, s3;
	s6 =	simm.s32 @!p1 $0x1082;
	[sflag:s4] =	ssyncset.s32 $0xFFFFF086  }
0x25: {  	[simem:s6], [sflag:s4] =	dma.local [hbm:s3], $0xF7A  }
0x26: {  	[smem:$0x3F9B] =	sst s1;
	(tag) =	ssettag s2;
	_ =	strace s9  }
0x27: {  	s1 =	sld [smem:$0x3FAB]  }
0x28: {  	s2 =	sld [smem:$0x3FAC]  }
0x29: {  	s4 =	sld [smem:$0x3FAE]  }
0x2a: {  	p0 =	seq.s32 s5, $0x0;
	s5 =	sld [smem:$0x3FAF]  }
0x2b: {  	s6 =	sld [smem:$0x3FB0]  }
0x2c: {  	s7 =	sld [smem:$0x3FB1]  }
0x2d: {  	s3 =	simm.s32 $0x108;
	s8 =	sld [smem:$0x3FB2]  }
0x2e: {  	s3 =	simm.s32 @!p0 $0x1082;
	s9 =	sld [smem:$0x3FB3]  }
0x2f: {  	lr =	sadd.s32 s0, s3;
	s0 =	sld [smem:$0x3FAA]  }
0x30: {  	s3 =	sld [smem:$0x3FAD]  }
0x31: {  	[smem:$0x3FB6] =	sst s10  }
0x32: {  	s10 =	sld [smem:$0x3FB4];
	_ =	sdelay $0x3  }
0x33: {  	p0 =	seq.s32 s10, $0x1;
	s10 =	sld [smem:$0x3FB6];
	_ =	sdelay $0x3  }
0x34: {  	[smem:$0x3FB6] =	sst s10  }
0x35: {  	s10 =	sld [smem:$0x3FB5];
	_ =	sdelay $0x3  }
0x36: {  	p1 =	seq.s32 s10, $0x1;
	s10 =	sld [smem:$0x3FB6];
	_ =	sdelay $0x3  }
0x37: {  	[smem:$0x3FB6] =	sst s10  }
0x38: {  	s10 =	sld [smem:$0x3FB7]  }
0x39: {  	_ = 	snop;
	(pc) =	sbr.ind lr, $3  }
0x3a: {  	_ = 	snop  }
0x3b: {  	_ = 	snop  }
0x3c: {  	p2 =	seq.s32 s10, $0x1;
	s10 =	sld [smem:$0x3FB6]  }
0x3d: {  	_ =	shalt  }
0x3e: {  	_ =	shalt  }
0x3f: {  	_ =	shalt  }
0x40: {  	_ =	shalt  }
0x41: {  	_ =	shalt  }
0x42: {  	_ =	shalt  }
0x43: {  	_ =	shalt  }
0x44: {  	_ =	shalt  }
0x45: {  	_ =	shalt  }
0x46: {  	_ =	shalt  }
0x47: {  	_ =	shalt  }
0x48: {  	_ =	shalt  }
0x49: {  	_ =	shalt  }
0x4a: {  	_ =	shalt  }
0x4b: {  	_ =	shalt  }
0x4c: {  	_ =	shalt  }
0x4d: {  	_ =	shalt  }
0x4e: {  	_ =	shalt  }
0x4f: {  	_ =	shalt  }
0x50: {  	_ =	shalt  }
0x51: {  	_ =	shalt  }
0x52: {  	_ =	shalt  }
0x53: {  	_ =	shalt  }
0x54: {  	_ =	shalt  }
0x55: {  	_ =	shalt  }
0x56: {  	_ =	shalt  }
0x57: {  	_ =	shalt  }
0x58: {  	_ =	shalt  }
0x59: {  	_ =	shalt  }
0x5a: {  	_ =	shalt  }
0x5b: {  	_ =	shalt  }
0x5c: {  	_ =	shalt  }
0x5d: {  	_ =	shalt  }
0x5e: {  	_ =	shalt  }
0x5f: {  	_ =	shalt  }
0x60: {  	_ =	shalt  }
0x61: {  	_ =	shalt  }
0x62: {  	_ =	shalt  }
0x63: {  	_ =	shalt  }
0x64: {  	_ =	shalt  }
0x65: {  	_ =	shalt  }
0x66: {  	_ =	shalt  }
0x67: {  	_ =	shalt  }
0x68: {  	_ =	shalt  }
0x69: {  	_ =	shalt  }
0x6a: {  	_ =	shalt  }
0x6b: {  	_ =	shalt  }
0x6c: {  	_ =	shalt  }
0x6d: {  	_ =	shalt  }
0x6e: {  	_ =	shalt  }
0x6f: {  	_ =	shalt  }
0x70: {  	_ =	shalt  }
0x71: {  	_ =	shalt  }
0x72: {  	_ =	shalt  }
0x73: {  	_ =	shalt  }
0x74: {  	_ =	shalt  }
0x75: {  	_ =	shalt  }
0x76: {  	_ =	shalt  }
0x77: {  	_ =	shalt  }
0x78: {  	_ =	shalt  }
0x79: {  	_ =	shalt  }
0x7a: {  	_ =	shalt  }
0x7b: {  	_ =	shalt  }
0x7c: {  	_ =	shalt  }
0x7d: {  	_ =	shalt  }
0x7e: {  	_ =	shalt  }
0x7f: {  	_ =	shalt  }
0x80: {  	_ =	shalt  }
0x81: {  	_ =	shalt  }
0x82: {  	_ =	shalt  }
0x83: {  	_ =	shalt  }
0x84: {  	_ =	shalt  }
0x85: {  	_ =	shalt  }
0x86: {  	_ =	shalt  }
0x87: {  	_ =	shalt  }
.Lfunc_end0:
.L_simem_size_0:
called_computation_lowered:
.L_overlay_start_0:
0x88: {  	s2 =	sld [smem:$0x3FD9]  }
0x89: {  	s3 =	sld [smem:$0x3FFE];
	_ =	sdelay $0x1  }
0x8a: {  	s1 =	srdreg.scid  }
0x8b: {  	s0 =	sand.u32 $0x1, s1  }
0x8c: {  	s17 =	sshll.u32 s0, $0xA;
	s2 =	sadd.s32 s3, s2  }
0x8d: {  	s2 =	sadd.s32 s2, s17  }
0x8e: {  	[smem:$0x3FC2] =	sst s2  }
0x8f: {  	_ = 	snop  }
0x90: {  	s2 =	sld [smem:$0x3FC9]  }
0x91: {  	s18 =	sld [smem:$0x3FC8]  }
0x92: {  	s4 =	sld [smem:$0x3FD0];
	(tm) =	ssettm $0x1  }
0x93: {  	s5 =	sld [smem:$0x3FFB];
	_ =	sdelay $0x3  }
0x94: {  	_ =	strace s5  }
0x95: {  	s5 =	sld [smem:$0x3FFC];
	_ =	sdelay $0x3  }
0x96: {  	_ =	strace s5  }
0x97: {  	s5 =	sld [smem:$0x3FFD];
	_ =	sdelay $0x3  }
0x98: {  	_ =	strace s5  }
0x99: {  	_ =	strace $0x8FFFFFFF  }
0x9a: {  	s19 =	sld [smem:$0x3FDB];
	_ =	sdelay $0x1  }
0x9b: {  	s6 =	simm.s32 $_scs_section_size  }
0x9c: {  	s7 =	simm.s32 $_size__tile_overlayer_lowered;
	s8 =	simm.s32 $_tile_overlayer_lowered  }
0x9d: {  	s22 =	simm.s32 $0x1BFF;
	s21 =	sshll.u32 s8, $0x1;
	s5 =	sadd.s32 s6, s19  }
0x9e: {  	s9 =	simm.s32 $0x0;
	s20 =	sshll.u32 s7, $0x1;
	s7 =	sadd.s32 s21, s5  }
0x9f: {  	[timem:s9], [sflag:s22] =	dma.local [hbm:s7], s20  }
0xa0: {  	_ =	swait.ge [sflag:s22], s20  }
0xa1: {  	s6 =	ssub.s32 $0x0, s20;
	[sflag:s22] =	ssyncset.done $0x0  }
0xa2: {  	[sflag:s22] =	ssyncadd.s32 s6;
	_ =	sdelay $0x1  }
0xa3: {  	s23 =	simm.s32 $0x1B8B  }
0xa4: {  	_ =	swait.ge [sflag:s23], $0x1  }
0xa5: {  	[sflag:s23] =	ssyncset.done $0x0  }
0xa6: {  	s25 =	simm.s32 $0x1B8E;
	s24 =	sld [smem:$0x3FFE];
	[sflag:s23] =	ssyncadd.s32 $0xFFFFFFFF  }
0xa7: {  	s26 =	simm.s32 $execute0_lowered;
	[smem:$0x3FD2] =	sst s25  }
0xa8: {  	s7 =	sshll.u32 s26, $0x1;
	_ =	strace $0x80000046;
	[dreg:$0x1] =	wrdreg $0xFFFFFFFF  }
0xa9: {  	s28 =	simm.s32 $_size_execute0_lowered;
	s5 =	sadd.s32 s5, s7;
	[dreg:$0x0] =	wrdreg $0x0  }
0xaa: {  	s7 =	sshll.u32 s28, $0x1;
	[dreg:$0x2] =	wrdreg s5  }
0xab: {  	[dreg:$0x3] =	wrdreg s7  }
0xac: {  	[dreg:$0x4] =	wrdreg $0xC0  }
0xad: {  	_ =	task [dreg:s9], $0x5FFFF  }
0xae: {  	[dreg:$0x1] =	wrdreg $0xFFFFFFFF  }
0xaf: {  	[dreg:$0x0] =	wrdreg $0x60  }
0xb0: {  	[dreg:$0x2] =	wrdreg s2  }
0xb1: {  	[dreg:$0x3] =	wrdreg s18  }
0xb2: {  	[dreg:$0x4] =	wrdreg s24  }
0xb3: {  	[dreg:$0x5] =	wrdreg s4  }
0xb4: {  	[dreg:$0x6] =	wrdreg $0x9  }
0xb5: {  	_ =	task.clear_ibuf [dreg:s9], $0x7FFFF;
	_ =	strace $0x90000046  }
0xb6: {  	s29 =	simm.s32 $0x9;
	_ =	strace $0x80000048  }
0xb7: {  	_ =	swait.ge [sflag:s29], $0x1  }
0xb8: {  	[sflag:s29] =	ssyncadd.s32 $0xFFFFFFFF  }
0xb9: {  	_ =	strace $0x90000048  }
0xba: {  	_ =	sfence  }
0xbb: {  	s30 =	sld [smem:$0x0];
	_ =	sdelay $0x2  }
0xbc: {  	s31 =	sshll.u32 s1, $0xD;
	s1 =	sshrl.u32 s1, $0x2  }
0xbd: {  	s3 =	sand.u32 $0x4000, s31;
	s1 =	sadd.s32 s1, s30  }
0xbe: {  	s0 =	sor.u32 s3, s0;
	s1 =	sshll.u32 s1, $0x11  }
0xbf: {  	s0 =	sor.u32 s1, s0  }
0xc0: {  	s0 =	sadd.s32 $0x8F2B, s0  }
0xc1: {  	[sflag:s0] =	ssyncadd.remote.s32 $0x1  }
0xc2: {  	_ =	sfence.sel $0xFFFF  }
0xc3: {  	[dreg:$0x0] =	wrdreg $0xFFFFFFFF;
	(pc) =	sbr.abs _section_cstart, $3  }
0xc4: {  	[dreg:$0x1] =	wrdreg $0xFFFFFFFF  }
0xc5: {  	_ =	task.clear_ibuf [dreg:s9], $0x2FFFF;
	_ =	strace $0x9FFFFFFF  }
0xc6: {  	(tm) =	ssettm $0x7FFFFFFF  }
0xc7: {  	_ =	shalt  }
tec
execute0_lowered:
.L_overlay_start_1:
0x0: {  	(tag) =	ssettag $0x1  }
0x1: {  	s7 =	rddreg [dreg:$0x0]  }
0x2: {  	s8 =	rddreg [dreg:$0x1]  }
0x3: {  	s1 =	rddreg [dreg:$0x2]  }
0x4: {  	s9 =	rddreg [dreg:$0x3]  }
0x5: {  	s0 =	rddreg [dreg:$0x4];
	s2 =	simm.s32 $0x0;
	s6 =	srdreg.scid  }
0x6: {  	s3 =	stileid.u32;
	s14 =	simm.s32 $0x10800;
	s15 =	simm.s32 $0x100  }
0x7: {  	s16 =	simm.s32 $0x400;
	s17 =	simm.s32 $0x600;
	s18 =	simm.s32 $0x500  }
0x8: {  	s19 =	simm.s32 $0x8600;
	s20 =	simm.s32 $0x1;
	s21 =	simm.s32 $0x2  }
0x9: {  	s22 =	simm.s32 $0x10A00;
	s23 =	simm.s32 $0x0;
	[smem:$0x7FF] =	sst s2  }
0xa: {  	s4 =	sadd.s32 $0x3D400, s1;
	s5 =	sadd.s32 $0x41D400, s1;
	s6 =	sand.u32 $0x1, s6  }
0xb: {  	s11 =	sshll.u32 s3, $0x7;
	_ =	strace $0x80000047;
	s10 =	ssub.s32 $0x2, s6  }
0xc: {  	s12 =	sshll.u32 s6, $0x6;
	s6 =	sadd.s32 $0x1EA00, s1;
	s13 =	sshrl.u32 s10, $0x1  }
0xd: {  	s11 =	sor.u32 s12, s11;
	s12 =	simm.s32 $0x200;
	s10 =	ssub.s32 s10, s13  }
0xe: {  	v1 =	vlaneseq.u32;
	s7 =	sadd.s32 s7, s11;
	s8 =	sadd.s32 s8, s11;
	s9 =	sadd.s32 s9, s11  }
0xf: {  	v0 =	vimm.s32 $0x0;
	v1 =	vmul.u32 $0x80, v1;
	s11 =	simm.s32 $0x3;
	s13 =	simm.s32 $0x10600;
	s10 =	smax.u32 s10, $0x1  }
.LBB2_1:
0x10: {  	[tilespmem:s2], [sflag:$0x3] =	stream.linear.gather [hbm4b:s7+s2], $0x200, $0x38;
	[tilespmem:$0x10C00] =	vst v63  }
0x11: {  	_ =	swait.ge [sflag:s11], $0x200  }
0x12: {  	[sflag:s11] =	ssyncset.done $0x0  }
0x13: {  	[sflag:s11] =	ssyncadd.s32 $0xFFFFFE00  }
0x14: {  	[tilespmem:s12], [sflag:$0x3] =	stream.linear.gather [hbm4b:s8+s2], $0x200, $0x38;
	[tilespmem:$0x10C00] =	vst v63  }
0x15: {  	_ =	swait.ge [sflag:s11], $0x200  }
0x16: {  	[sflag:s11] =	ssyncset.done $0x0  }
0x17: {  	[sflag:s11] =	ssyncadd.s32 $0xFFFFFE00  }
0x18: {  	[tilespmem:s13], [sflag:$0x2] =	stream.indirect.gather [hbm4b:s1+s12], $0x1, s2, s12, $0xb8;
	[tilespmem:$0x10C00] =	vst v63  }
0x19: {  	s25 =	simm.s32 $0x0  }
0x1a: {  	[tilespmem:s14], [sflag:$0x2] =	stream.indirect.gather [hbm4b:s6+s12], $0x1, s12, s12, $0xb8;
	[tilespmem:$0x10C00] =	vst v63  }
0x1b: {  	v4 =	vld [tilespmem:s25+$0x200];
	_ =	sdelay $0x1  }
0x1c: {  	v3 =	vld [tilespmem:s25+$0x0];
	_ =	sdelay $0x2  }
0x1d: {  	vm0 =	vgt.s32 v4, $0x3DFFF;
	vm1 =	vgt.s32 v4, $0x7BFFF  }
0x1e: {  	v5 =	vsel vm0, $0x1, v0;
	v6 =	vsel vm1, $0x1, v0;
	vm0 =	vgt.s32 v4, $0xB9FFF  }
0x1f: {  	vm1 =	vgt.s32 v3, $0x3DFFF;
	v5 =	vadd.s32 v6, v5;
	v6 =	vsel vm0, $0x1, v0  }
0x20: {  	s24 =	simm.s32 $0x10;
	v7 =	vsel vm1, $0x1, v0;
	vm0 =	vgt.s32 v3, $0x7BFFF;
	v5 =	vadd.s32 v6, v5  }
0x21: {  	v2 =	vld [tilespmem:s24+$0x200];
	v6 =	vsel vm0, $0x1, v0;
	vm0 =	vgt.s32 v3, $0xB9FFF;
	v5 =	vmul.u32 $0xFFFC2000, v5  }
0x22: {  	v6 =	vadd.s32 v6, v7;
	v7 =	vsel vm0, $0x1, v0  }
0x23: {  	v6 =	vadd.s32 v7, v6;
	v7 =	vadd.s32 v4, v5;
	v4 =	vld [tilespmem:s24+$0x0];
	_ =	sdelay $0x2  }
0x24: {  	vm1 =	vgt.s32 v2, $0x7BFFF;
	vm0 =	vgt.s32 v2, $0x3DFFF;
	v5 =	vmul.u32 $0xFFFC2000, v6  }
0x25: {  	s26 =	simm.s32 $0x20;
	s28 =	simm.s32 $0xC0;
	v6 =	vsel vm0, $0x1, v0;
	vm0 =	vgt.s32 v2, $0xB9FFF;
	[tilespmem:s25+$0x500] =	vst v7;
	v7 =	vsel vm1, $0x1, v0  }
.LBB2_2:
0x26: {  	p0 =	sne.s32 s28, $0x3C0;
	v8 =	vld [tilespmem:s26+$0x200];
	vm1 =	vgt.s32 v4, $0x3DFFF;
	v6 =	vadd.s32 v7, v6;
	v7 =	vsel vm0, $0x1, v0  }
0x27: {  	vm0 =	vgt.s32 v4, $0x7BFFF;
	v9 =	vld [tilespmem:s26+$0x0];
	v10 =	vsel vm1, $0x1, v0;
	v6 =	vadd.s32 v7, v6  }
.Ltmp0:
0x28: {  	v7 =	vsel vm0, $0x1, v0;
	vm0 =	vgt.s32 v4, $0xB9FFF;
	v6 =	vmul.u32 $0xFFFC2000, v6;
	(pc) =	sbr.rel @p0 .LBB2_2-.Ltmp0, $4  }
0x29: {  	v5 =	vadd.s32 v3, v5;
	v3 =	vmovc v4;
	v7 =	vadd.s32 v7, v10;
	v10 =	vsel vm0, $0x1, v0  }
0x2a: {  	v10 =	vadd.s32 v10, v7;
	v6 =	vadd.s32 v2, v6;
	[tilespmem:s25+$0x400] =	vst v5;
	s25 =	smov.u32 s24;
	s24 =	smov.u32 s26  }
0x2b: {  	v5 =	vmul.u32 $0xFFFC2000, v10;
	vm0 =	vgt.s32 v8, $0x3DFFF;
	vm1 =	vgt.s32 v8, $0x7BFFF;
	[tilespmem:s25+$0x500] =	vst v6;
	v2 =	vmovc v8  }
0x2c: {  	s26 =	sshra.s32 s28, $0x2;
	s28 =	sadd.s32 $0x40, s28;
	v6 =	vsel vm0, $0x1, v0;
	v7 =	vsel vm1, $0x1, v0;
	vm0 =	vgt.s32 v2, $0xB9FFF;
	v4 =	vmovc v9  }
0x2d: {  	v8 =	vld [tilespmem:s26+$0x200];
	vm1 =	vgt.s32 v4, $0x3DFFF;
	v6 =	vadd.s32 v7, v6;
	vm15 =	vgt.s32 v4, $0x7BFFF  }
0x2e: {  	v9 =	vld [tilespmem:s26+$0x0];
	vm4 =	vgt.s32 v4, $0xB9FFF;
	v10 =	vsel vm1, $0x1, v0;
	v52 =	vsel vm15, $0x1, v0  }
0x2f: {  	v51 =	vsel vm0, $0x1, v0;
	v53 =	vsel vm4, $0x1, v0;
	v7 =	vadd.s32 v52, v10  }
0x30: {  	v3 =	vadd.s32 v3, v5;
	v6 =	vadd.s32 v51, v6;
	v5 =	vadd.s32 v53, v7  }
0x31: {  	v6 =	vmul.u32 $0xFFFC2000, v6;
	v5 =	vmul.u32 $0xFFFC2000, v5  }
0x32: {  	vm5 =	vgt.s32 v8, $0x3DFFF;
	vm6 =	vgt.s32 v8, $0x7BFFF;
	vm7 =	vgt.s32 v8, $0xB9FFF  }
0x33: {  	vm8 =	vgt.s32 v9, $0x3DFFF;
	vm9 =	vgt.s32 v9, $0x7BFFF;
	vm10 =	vgt.s32 v9, $0xB9FFF  }
0x34: {  	v54 =	vsel vm5, $0x1, v0;
	v55 =	vsel vm6, $0x1, v0;
	v56 =	vsel vm7, $0x1, v0  }
0x35: {  	v11 =	vsel vm8, $0x1, v0;
	v12 =	vsel vm9, $0x1, v0;
	v7 =	vadd.s32 v55, v54  }
0x36: {  	v58 =	vsel vm10, $0x1, v0;
	v57 =	vadd.s32 v12, v11;
	v7 =	vadd.s32 v56, v7  }
0x37: {  	[tilespmem:s25+$0x400] =	vst v3;
	v2 =	vadd.s32 v2, v6;
	v59 =	vadd.s32 v58, v57;
	v3 =	vmul.u32 $0xFFFC2000, v7  }
0x38: {  	[tilespmem:s24+$0x500] =	vst v2;
	v2 =	vadd.s32 v4, v5;
	v4 =	vmul.u32 $0xFFFC2000, v59  }
0x39: {  	[tilespmem:s24+$0x400] =	vst v2;
	v3 =	vadd.s32 v8, v3  }
0x3a: {  	v2 =	vadd.s32 v9, v4;
	[tilespmem:s26+$0x500] =	vst v3  }
0x3b: {  	[tilespmem:s26+$0x400] =	vst v2  }
0x3c: {  	[tilespmem:s17], [sflag:$0x1] =	stream.indirect.gather [hbm4b:s4+s15], $0x80, s16, s15, $0xb8;
	[tilespmem:$0x10C00] =	vst v63  }
0x3d: {  	_ = 	snop  }
0x3e: {  	[tilespmem:s19], [sflag:$0x1] =	stream.indirect.gather [hbm4b:s5+s15], $0x80, s18, s15, $0xb8;
	[tilespmem:$0x10C00] =	vst v63  }
0x3f: {  	_ =	swait.ge [sflag:s20], $0x8000  }
0x40: {  	[sflag:s20] =	ssyncset.done $0x0  }
0x41: {  	[sflag:s20] =	ssyncadd.s32 $0xFFFF8000  }
0x42: {  	_ =	swait.ge [sflag:s20], $0x8000  }
0x43: {  	[sflag:s20] =	ssyncset.done $0x0  }
0x44: {  	[sflag:s20] =	ssyncadd.s32 $0xFFFF8000  }
0x45: {  	_ =	swait.ge [sflag:s21], $0x200  }
0x46: {  	[sflag:s21] =	ssyncset.done $0x0  }
0x47: {  	[sflag:s21] =	ssyncadd.s32 $0xFFFFFE00  }
0x48: {  	_ =	swait.ge [sflag:s21], $0x200  }
0x49: {  	[sflag:s21] =	ssyncset.done $0x0  }
0x4a: {  	s24 =	simm.s32 $0x0;
	[sflag:s21] =	ssyncadd.s32 $0xFFFFFE00  }
0x4b: {  	s26 =	simm.s32 $0x200;
	v2 =	vld [tilespmem:s24+$0x0]  }
0x4c: {  	v3 =	vld [tilespmem:s26+$0x0];
	_ =	sdelay $0x1  }
0x4d: {  	v4 =	vmov s24  }
0x4e: {  	v4 =	vshll.u32 v4, $0x7  }
0x4f: {  	vm11 =	vgt.s32 v2, $0x3DFFF;
	vm12 =	vgt.s32 v2, $0x7BFFF;
	vm2 =	vgt.s32 v2, $0xB9FFF  }
0x50: {  	vm13 =	vgt.s32 v3, $0x3DFFF;
	vm14 =	vgt.s32 v3, $0x7BFFF;
	vm15 =	vgt.s32 v3, $0xB9FFF  }
0x51: {  	v2 =	vsel vm11, $0x1, v0;
	v5 =	vsel vm12, $0x1, v0;
	v60 =	vsel vm2, $0x1, v0  }
0x52: {  	v61 =	vsel vm14, $0x1, v0;
	v2 =	vadd.s32 v5, v2;
	v5 =	vsel vm13, $0x1, v0  }
0x53: {  	v2 =	vadd.s32 v60, v2;
	v3 =	vadd.s32 v61, v5;
	v5 =	vsel vm15, $0x1, v0  }
0x54: {  	v4 =	vor.u32 v1, v4;
	v2 =	vshll.u32 v2, $0x5;
	v3 =	vadd.s32 v5, v3  }
0x55: {  	v5 =	vshll.u32 v3, $0x5;
	v3 =	vadd.s32 v4, v2  }
0x56: {  	v2 =	vadd.s32 v4, v5  }
0x57: {  	s24 =	simm.s32 $0x10800;
	v4 =	vor.u32 $0x1, v3  }
0x58: {  	s25 =	simm.s32 $0x10600;
	v63 =	vld [tilespmem:s24+$0x0];
	v62 =	vor.u32 $0x1, v2  }
0x59: {  	v5 =	vld [tilespmem:s25+$0x0];
	v20 =	vor.u32 $0x2, v3  }
0x5a: {  	v22 =	vor.u32 $0x2, v2;
	v21 =	vld.idx.msk [tilespmem:v3+s17+$0x0], $0xffff  }
0x5b: {  	v24 =	vor.u32 $0x3, v3;
	v23 =	vld.idx.msk [tilespmem:v2+s19+$0x0], $0xffff  }
0x5c: {  	v13 =	vor.u32 $0x3, v2;
	v4 =	vld.idx.msk [tilespmem:v4+s17+$0x0], $0xffff  }
0x5d: {  	v14 =	vor.u32 $0x4, v3;
	v6 =	vld.idx.msk [tilespmem:v62+s19+$0x0], $0xffff  }
0x5e: {  	v15 =	vor.u32 $0x4, v2;
	v8 =	vld.idx.msk [tilespmem:v20+s17+$0x0], $0xffff  }
0x5f: {  	v16 =	vor.u32 $0x5, v3;
	v10 =	vld.idx.msk [tilespmem:v22+s19+$0x0], $0xffff  }
0x60: {  	v17 =	vor.u32 $0x5, v2;
	v12 =	vld.idx.msk [tilespmem:v24+s17+$0x0], $0xffff;
	v5 =	vadd.f32 v63, v5;
	v25 =	vmul.f32 v23, v21  }
0x61: {  	v27 =	vor.u32 $0x6, v3;
	v26 =	vld.idx.msk [tilespmem:v13+s19+$0x0], $0xffff  }
0x62: {  	v29 =	vor.u32 $0x6, v2;
	v28 =	vld.idx.msk [tilespmem:v14+s17+$0x0], $0xffff;
	v4 =	vmul.f32 v6, v4;
	v5 =	vadd.f32 v25, v5  }
0x63: {  	v31 =	vor.u32 $0x7, v3;
	v30 =	vld.idx.msk [tilespmem:v15+s19+$0x0], $0xffff  }
0x64: {  	v33 =	vor.u32 $0x7, v2;
	v32 =	vld.idx.msk [tilespmem:v16+s17+$0x0], $0xffff;
	v4 =	vadd.f32 v4, v5;
	v5 =	vmul.f32 v10, v8  }
0x65: {  	v36 =	vor.u32 $0x8, v2;
	v34 =	vld.idx.msk [tilespmem:v17+s19+$0x0], $0xffff  }
0x66: {  	v35 =	vor.u32 $0x8, v3;
	v11 =	vld.idx.msk [tilespmem:v27+s17+$0x0], $0xffff;
	v4 =	vadd.f32 v5, v4;
	v5 =	vmul.f32 v26, v12  }
0x67: {  	v39 =	vor.u32 $0x9, v2;
	v37 =	vld.idx.msk [tilespmem:v29+s19+$0x0], $0xffff  }
0x68: {  	v38 =	vor.u32 $0x9, v3;
	v7 =	vld.idx.msk [tilespmem:v31+s17+$0x0], $0xffff;
	v4 =	vadd.f32 v5, v4;
	v5 =	vmul.f32 v30, v28  }
0x69: {  	v41 =	vor.u32 $0xA, v3;
	v40 =	vld.idx.msk [tilespmem:v33+s19+$0x0], $0xffff  }
0x6a: {  	v42 =	vor.u32 $0xA, v2;
	v43 =	vld.idx.msk [tilespmem:v36+s19+$0x0], $0xffff;
	v4 =	vadd.f32 v5, v4;
	v5 =	vmul.f32 v34, v32  }
0x6b: {  	v44 =	vor.u32 $0xB, v3;
	v10 =	vld.idx.msk [tilespmem:v35+s17+$0x0], $0xffff  }
0x6c: {  	v45 =	vor.u32 $0xB, v2;
	v46 =	vld.idx.msk [tilespmem:v39+s19+$0x0], $0xffff;
	v4 =	vadd.f32 v5, v4;
	v5 =	vmul.f32 v37, v11  }
0x6d: {  	v48 =	vor.u32 $0xC, v2;
	v12 =	vld.idx.msk [tilespmem:v38+s17+$0x0], $0xffff  }
0x6e: {  	v47 =	vor.u32 $0xC, v3;
	v13 =	vld.idx.msk [tilespmem:v41+s17+$0x0], $0xffff;
	v4 =	vadd.f32 v5, v4;
	v5 =	vmul.f32 v40, v7  }
0x6f: {  	v51 =	vor.u32 $0xD, v2;
	v49 =	vld.idx.msk [tilespmem:v42+s19+$0x0], $0xffff  }
0x70: {  	v50 =	vor.u32 $0xD, v3;
	v15 =	vld.idx.msk [tilespmem:v44+s17+$0x0], $0xffff;
	v4 =	vadd.f32 v5, v4;
	v5 =	vmul.f32 v43, v10  }
0x71: {  	v54 =	vor.u32 $0xE, v2;
	v52 =	vld.idx.msk [tilespmem:v45+s19+$0x0], $0xffff  }
0x72: {  	v53 =	vor.u32 $0xE, v3;
	v55 =	vld.idx.msk [tilespmem:v48+s19+$0x0], $0xffff;
	v4 =	vadd.f32 v5, v4;
	v5 =	vmul.f32 v46, v12  }
0x73: {  	v57 =	vor.u32 $0xF, v2;
	v11 =	vld.idx.msk [tilespmem:v47+s17+$0x0], $0xffff  }
0x74: {  	v56 =	vor.u32 $0xF, v3;
	v58 =	vld.idx.msk [tilespmem:v51+s19+$0x0], $0xffff;
	v4 =	vadd.f32 v5, v4;
	v5 =	vmul.f32 v49, v13  }
0x75: {  	v60 =	vor.u32 $0x10, v2;
	v7 =	vld.idx.msk [tilespmem:v50+s17+$0x0], $0xffff  }
0x76: {  	v59 =	vor.u32 $0x10, v3;
	v61 =	vld.idx.msk [tilespmem:v54+s19+$0x0], $0xffff;
	v4 =	vadd.f32 v5, v4;
	v5 =	vmul.f32 v52, v15  }
0x77: {  	v63 =	vor.u32 $0x11, v2;
	v10 =	vld.idx.msk [tilespmem:v53+s17+$0x0], $0xffff  }
0x78: {  	v62 =	vor.u32 $0x11, v3;
	v20 =	vld.idx.msk [tilespmem:v57+s19+$0x0], $0xffff;
	v4 =	vadd.f32 v5, v4;
	v5 =	vmul.f32 v55, v11  }
0x79: {  	v22 =	vor.u32 $0x12, v2;
	v12 =	vld.idx.msk [tilespmem:v56+s17+$0x0], $0xffff  }
0x7a: {  	v21 =	vor.u32 $0x12, v3;
	v23 =	vld.idx.msk [tilespmem:v60+s19+$0x0], $0xffff;
	v4 =	vadd.f32 v5, v4;
	v5 =	vmul.f32 v58, v7  }
0x7b: {  	v25 =	vor.u32 $0x13, v2;
	v13 =	vld.idx.msk [tilespmem:v59+s17+$0x0], $0xffff  }
0x7c: {  	v24 =	vor.u32 $0x13, v3;
	v26 =	vld.idx.msk [tilespmem:v63+s19+$0x0], $0xffff;
	v4 =	vadd.f32 v5, v4;
	v5 =	vmul.f32 v61, v10  }
0x7d: {  	v28 =	vor.u32 $0x14, v2;
	v15 =	vld.idx.msk [tilespmem:v62+s17+$0x0], $0xffff  }
0x7e: {  	v27 =	vor.u32 $0x14, v3;
	v29 =	vld.idx.msk [tilespmem:v22+s19+$0x0], $0xffff;
	v4 =	vadd.f32 v5, v4;
	v5 =	vmul.f32 v20, v12  }
0x7f: {  	v31 =	vor.u32 $0x15, v2;
	v11 =	vld.idx.msk [tilespmem:v21+s17+$0x0], $0xffff  }
0x80: {  	v30 =	vor.u32 $0x15, v3;
	v32 =	vld.idx.msk [tilespmem:v25+s19+$0x0], $0xffff;
	v4 =	vadd.f32 v5, v4;
	v5 =	vmul.f32 v23, v13  }
0x81: {  	v34 =	vor.u32 $0x16, v2;
	v7 =	vld.idx.msk [tilespmem:v24+s17+$0x0], $0xffff  }
0x82: {  	v33 =	vor.u32 $0x16, v3;
	v35 =	vld.idx.msk [tilespmem:v28+s19+$0x0], $0xffff;
	v4 =	vadd.f32 v5, v4;
	v5 =	vmul.f32 v26, v15  }
0x83: {  	v37 =	vor.u32 $0x17, v2;
	v10 =	vld.idx.msk [tilespmem:v27+s17+$0x0], $0xffff  }
0x84: {  	v36 =	vor.u32 $0x17, v3;
	v38 =	vld.idx.msk [tilespmem:v31+s19+$0x0], $0xffff;
	v4 =	vadd.f32 v5, v4;
	v5 =	vmul.f32 v29, v11  }
0x85: {  	v40 =	vor.u32 $0x18, v2;
	v12 =	vld.idx.msk [tilespmem:v30+s17+$0x0], $0xffff  }
0x86: {  	v39 =	vor.u32 $0x18, v3;
	v41 =	vld.idx.msk [tilespmem:v34+s19+$0x0], $0xffff;
	v4 =	vadd.f32 v5, v4;
	v5 =	vmul.f32 v32, v7  }
0x87: {  	v43 =	vor.u32 $0x19, v2;
	v13 =	vld.idx.msk [tilespmem:v33+s17+$0x0], $0xffff  }
0x88: {  	v42 =	vor.u32 $0x19, v3;
	v44 =	vld.idx.msk [tilespmem:v37+s19+$0x0], $0xffff;
	v4 =	vadd.f32 v5, v4;
	v5 =	vmul.f32 v35, v10  }
0x89: {  	v46 =	vor.u32 $0x1A, v2;
	v15 =	vld.idx.msk [tilespmem:v36+s17+$0x0], $0xffff  }
0x8a: {  	v45 =	vor.u32 $0x1A, v3;
	v47 =	vld.idx.msk [tilespmem:v40+s19+$0x0], $0xffff;
	v4 =	vadd.f32 v5, v4;
	v5 =	vmul.f32 v38, v12  }
0x8b: {  	v49 =	vor.u32 $0x1B, v2;
	v11 =	vld.idx.msk [tilespmem:v39+s17+$0x0], $0xffff  }
0x8c: {  	v48 =	vor.u32 $0x1B, v3;
	v50 =	vld.idx.msk [tilespmem:v43+s19+$0x0], $0xffff;
	v4 =	vadd.f32 v5, v4;
	v5 =	vmul.f32 v41, v13  }
0x8d: {  	v52 =	vor.u32 $0x1C, v2;
	v7 =	vld.idx.msk [tilespmem:v42+s17+$0x0], $0xffff  }
0x8e: {  	v51 =	vor.u32 $0x1C, v3;
	v53 =	vld.idx.msk [tilespmem:v46+s19+$0x0], $0xffff;
	v4 =	vadd.f32 v5, v4;
	v5 =	vmul.f32 v44, v15  }
0x8f: {  	v54 =	vor.u32 $0x1D, v3;
	v10 =	vld.idx.msk [tilespmem:v45+s17+$0x0], $0xffff  }
0x90: {  	v55 =	vor.u32 $0x1D, v2;
	v56 =	vld.idx.msk [tilespmem:v49+s19+$0x0], $0xffff;
	v4 =	vadd.f32 v5, v4;
	v5 =	vmul.f32 v47, v11  }
0x91: {  	v57 =	vor.u32 $0x1E, v3;
	v12 =	vld.idx.msk [tilespmem:v48+s17+$0x0], $0xffff  }
0x92: {  	v58 =	vor.u32 $0x1E, v2;
	v59 =	vld.idx.msk [tilespmem:v52+s19+$0x0], $0xffff;
	v4 =	vadd.f32 v5, v4;
	v5 =	vmul.f32 v50, v7  }
0x93: {  	v3 =	vor.u32 $0x1F, v3;
	v13 =	vld.idx.msk [tilespmem:v51+s17+$0x0], $0xffff  }
0x94: {  	v60 =	vld.idx.msk [tilespmem:v54+s17+$0x0], $0xffff;
	v2 =	vor.u32 $0x1F, v2;
	v4 =	vadd.f32 v5, v4;
	v5 =	vmul.f32 v53, v10  }
0x95: {  	v61 =	vld.idx.msk [tilespmem:v55+s19+$0x0], $0xffff  }
0x96: {  	v62 =	vld.idx.msk [tilespmem:v57+s17+$0x0], $0xffff;
	v4 =	vadd.f32 v5, v4;
	v5 =	vmul.f32 v56, v12  }
0x97: {  	v63 =	vld.idx.msk [tilespmem:v58+s19+$0x0], $0xffff  }
0x98: {  	v3 =	vld.idx.msk [tilespmem:v3+s17+$0x0], $0xffff;
	v4 =	vadd.f32 v5, v4;
	v5 =	vmul.f32 v59, v13  }
0x99: {  	v2 =	vld.idx.msk [tilespmem:v2+s19+$0x0], $0xffff  }
0x9a: {  	v4 =	vadd.f32 v5, v4;
	v5 =	vmul.f32 v61, v60;
	_ =	sdelay $0x1  }
0x9b: {  	v4 =	vadd.f32 v5, v4;
	v5 =	vmul.f32 v63, v62;
	_ =	sdelay $0x1  }
0x9c: {  	v2 =	vmul.f32 v2, v3;
	v4 =	vadd.f32 v5, v4;
	_ =	sdelay $0x1  }
0x9d: {  	v2 =	vadd.f32 v2, v4  }
0x9e: {  	s26 =	simm.s32 $0x10A00  }
0x9f: {  	s28 =	simm.s32 $0x10;
	[tilespmem:s26+$0x0] =	vst v2  }
0xa0: {  	v3 =	vld [tilespmem:s28+$0x0]  }
0xa1: {  	s29 =	simm.s32 $0x210  }
0xa2: {  	s30 =	simm.s32 $0x20;
	s31 =	simm.s32 $0x10;
	v2 =	vld [tilespmem:s29+$0x0]  }
.LBB2_4:
0xa3: {  	p0 =	sne.s32 s30, $0xF0;
	v4 =	vmov s28;
	s28 =	smov.u32 s30  }
0xa4: {  	v4 =	vshll.u32 v4, $0x7  }
0xa5: {  	vm0 =	vgt.s32 v3, $0x3DFFF;
	vm1 =	vgt.s32 v3, $0x7BFFF;
	vm2 =	vgt.s32 v3, $0xB9FFF  }
0xa6: {  	v3 =	vsel vm0, $0x1, v0;
	v5 =	vsel vm1, $0x1, v0;
	v6 =	vsel vm2, $0x1, v0  }
0xa7: {  	v3 =	vadd.s32 v5, v3;
	vm0 =	vgt.s32 v2, $0x3DFFF;
	vm1 =	vgt.s32 v2, $0x7BFFF  }
0xa8: {  	v5 =	vsel vm0, $0x1, v0;
	v7 =	vsel vm1, $0x1, v0;
	vm0 =	vgt.s32 v2, $0xB9FFF  }
0xa9: {  	v2 =	vadd.s32 v6, v3;
	v3 =	vadd.s32 v7, v5;
	v5 =	vsel vm0, $0x1, v0  }
0xaa: {  	v4 =	vor.u32 v1, v4;
	v2 =	vshll.u32 v2, $0x5;
	v3 =	vadd.s32 v5, v3  }
0xab: {  	v5 =	vshll.u32 v3, $0x5;
	v3 =	vadd.s32 v4, v2  }
0xac: {  	v2 =	vadd.s32 v4, v5  }
0xad: {  	s25 =	sadd.s32 $0x10, s25;
	v4 =	vor.u32 $0x1, v3  }
0xae: {  	s24 =	sadd.s32 $0x10, s24;
	v6 =	vor.u32 $0x1, v2;
	v5 =	vld [tilespmem:s25+$0x0]  }
0xaf: {  	v8 =	vor.u32 $0x2, v3;
	v7 =	vld [tilespmem:s24+$0x0]  }
0xb0: {  	v10 =	vor.u32 $0x2, v2;
	v9 =	vld.idx.msk [tilespmem:v3+s17+$0x0], $0xffff  }
0xb1: {  	v12 =	vor.u32 $0x3, v3;
	v11 =	vld.idx.msk [tilespmem:v2+s19+$0x0], $0xffff  }
0xb2: {  	v13 =	vor.u32 $0x3, v2;
	v4 =	vld.idx.msk [tilespmem:v4+s17+$0x0], $0xffff  }
0xb3: {  	v14 =	vor.u32 $0x4, v3;
	v6 =	vld.idx.msk [tilespmem:v6+s19+$0x0], $0xffff  }
0xb4: {  	v15 =	vor.u32 $0x4, v2;
	v8 =	vld.idx.msk [tilespmem:v8+s17+$0x0], $0xffff  }
0xb5: {  	v16 =	vor.u32 $0x5, v3;
	v10 =	vld.idx.msk [tilespmem:v10+s19+$0x0], $0xffff  }
0xb6: {  	v17 =	vor.u32 $0x5, v2;
	v12 =	vld.idx.msk [tilespmem:v12+s17+$0x0], $0xffff  }
0xb7: {  	v5 =	vadd.f32 v7, v5;
	v7 =	vmul.f32 v11, v9;
	v11 =	vor.u32 $0x6, v3;
	v9 =	vld.idx.msk [tilespmem:v13+s19+$0x0], $0xffff  }
0xb8: {  	v13 =	vld.idx.msk [tilespmem:v14+s17+$0x0], $0xffff;
	v14 =	vor.u32 $0x6, v2  }
0xb9: {  	v5 =	vadd.f32 v7, v5;
	v4 =	vmul.f32 v6, v4;
	v7 =	vor.u32 $0x7, v3;
	v6 =	vld.idx.msk [tilespmem:v15+s19+$0x0], $0xffff  }
0xba: {  	v15 =	vld.idx.msk [tilespmem:v16+s17+$0x0], $0xffff;
	v16 =	vor.u32 $0x7, v2  }
0xbb: {  	v4 =	vadd.f32 v4, v5;
	v5 =	vmul.f32 v10, v8;
	v10 =	vor.u32 $0x8, v3;
	v8 =	vld.idx.msk [tilespmem:v17+s19+$0x0], $0xffff  }
0xbc: {  	v17 =	vor.u32 $0x8, v2;
	v11 =	vld.idx.msk [tilespmem:v11+s17+$0x0], $0xffff  }
0xbd: {  	v4 =	vadd.f32 v5, v4;
	v5 =	vmul.f32 v9, v12;
	v12 =	vor.u32 $0x9, v3;
	v9 =	vld.idx.msk [tilespmem:v14+s19+$0x0], $0xffff  }
0xbe: {  	v14 =	vor.u32 $0x9, v2;
	v7 =	vld.idx.msk [tilespmem:v7+s17+$0x0], $0xffff  }
0xbf: {  	v4 =	vadd.f32 v5, v4;
	v5 =	vmul.f32 v6, v13;
	v13 =	vor.u32 $0xA, v3;
	v6 =	vld.idx.msk [tilespmem:v16+s19+$0x0], $0xffff  }
0xc0: {  	v16 =	vor.u32 $0xA, v2;
	v10 =	vld.idx.msk [tilespmem:v10+s17+$0x0], $0xffff  }
0xc1: {  	v4 =	vadd.f32 v5, v4;
	v5 =	vmul.f32 v8, v15;
	v15 =	vor.u32 $0xB, v3;
	v8 =	vld.idx.msk [tilespmem:v17+s19+$0x0], $0xffff  }
0xc2: {  	v17 =	vor.u32 $0xB, v2;
	v12 =	vld.idx.msk [tilespmem:v12+s17+$0x0], $0xffff  }
0xc3: {  	v4 =	vadd.f32 v5, v4;
	v5 =	vmul.f32 v9, v11;
	v11 =	vor.u32 $0xC, v3;
	v9 =	vld.idx.msk [tilespmem:v14+s19+$0x0], $0xffff  }
0xc4: {  	v14 =	vor.u32 $0xC, v2;
	v13 =	vld.idx.msk [tilespmem:v13+s17+$0x0], $0xffff  }
0xc5: {  	v4 =	vadd.f32 v5, v4;
	v5 =	vmul.f32 v6, v7;
	v7 =	vor.u32 $0xD, v3;
	v6 =	vld.idx.msk [tilespmem:v16+s19+$0x0], $0xffff  }
0xc6: {  	v16 =	vor.u32 $0xD, v2;
	v15 =	vld.idx.msk [tilespmem:v15+s17+$0x0], $0xffff  }
0xc7: {  	v4 =	vadd.f32 v5, v4;
	v5 =	vmul.f32 v8, v10;
	v10 =	vor.u32 $0xE, v3;
	v8 =	vld.idx.msk [tilespmem:v17+s19+$0x0], $0xffff  }
0xc8: {  	v17 =	vor.u32 $0xE, v2;
	v11 =	vld.idx.msk [tilespmem:v11+s17+$0x0], $0xffff  }
0xc9: {  	v4 =	vadd.f32 v5, v4;
	v5 =	vmul.f32 v9, v12;
	v12 =	vor.u32 $0xF, v3;
	v9 =	vld.idx.msk [tilespmem:v14+s19+$0x0], $0xffff  }
0xca: {  	v14 =	vor.u32 $0xF, v2;
	v7 =	vld.idx.msk [tilespmem:v7+s17+$0x0], $0xffff  }
0xcb: {  	v4 =	vadd.f32 v5, v4;
	v5 =	vmul.f32 v6, v13;
	v13 =	vor.u32 $0x10, v3;
	v6 =	vld.idx.msk [tilespmem:v16+s19+$0x0], $0xffff  }
0xcc: {  	v16 =	vor.u32 $0x10, v2;
	v10 =	vld.idx.msk [tilespmem:v10+s17+$0x0], $0xffff  }
0xcd: {  	v4 =	vadd.f32 v5, v4;
	v5 =	vmul.f32 v8, v15;
	v15 =	vor.u32 $0x11, v3;
	v8 =	vld.idx.msk [tilespmem:v17+s19+$0x0], $0xffff  }
0xce: {  	v17 =	vor.u32 $0x11, v2;
	v12 =	vld.idx.msk [tilespmem:v12+s17+$0x0], $0xffff  }
0xcf: {  	v4 =	vadd.f32 v5, v4;
	v5 =	vmul.f32 v9, v11;
	v11 =	vor.u32 $0x12, v3;
	v9 =	vld.idx.msk [tilespmem:v14+s19+$0x0], $0xffff  }
0xd0: {  	v14 =	vor.u32 $0x12, v2;
	v13 =	vld.idx.msk [tilespmem:v13+s17+$0x0], $0xffff  }
0xd1: {  	v4 =	vadd.f32 v5, v4;
	v5 =	vmul.f32 v6, v7;
	v7 =	vor.u32 $0x13, v3;
	v6 =	vld.idx.msk [tilespmem:v16+s19+$0x0], $0xffff  }
0xd2: {  	v16 =	vor.u32 $0x13, v2;
	v15 =	vld.idx.msk [tilespmem:v15+s17+$0x0], $0xffff  }
0xd3: {  	v4 =	vadd.f32 v5, v4;
	v5 =	vmul.f32 v8, v10;
	v10 =	vor.u32 $0x14, v3;
	v8 =	vld.idx.msk [tilespmem:v17+s19+$0x0], $0xffff  }
0xd4: {  	v17 =	vor.u32 $0x14, v2;
	v11 =	vld.idx.msk [tilespmem:v11+s17+$0x0], $0xffff  }
0xd5: {  	v4 =	vadd.f32 v5, v4;
	v5 =	vmul.f32 v9, v12;
	v12 =	vor.u32 $0x15, v3;
	v9 =	vld.idx.msk [tilespmem:v14+s19+$0x0], $0xffff  }
0xd6: {  	v14 =	vor.u32 $0x15, v2;
	v7 =	vld.idx.msk [tilespmem:v7+s17+$0x0], $0xffff  }
0xd7: {  	v4 =	vadd.f32 v5, v4;
	v5 =	vmul.f32 v6, v13;
	v13 =	vor.u32 $0x16, v3;
	v6 =	vld.idx.msk [tilespmem:v16+s19+$0x0], $0xffff  }
0xd8: {  	v16 =	vor.u32 $0x16, v2;
	v10 =	vld.idx.msk [tilespmem:v10+s17+$0x0], $0xffff  }
0xd9: {  	v4 =	vadd.f32 v5, v4;
	v5 =	vmul.f32 v8, v15;
	v15 =	vor.u32 $0x17, v3;
	v8 =	vld.idx.msk [tilespmem:v17+s19+$0x0], $0xffff  }
0xda: {  	v17 =	vor.u32 $0x17, v2;
	v12 =	vld.idx.msk [tilespmem:v12+s17+$0x0], $0xffff  }
0xdb: {  	v4 =	vadd.f32 v5, v4;
	v5 =	vmul.f32 v9, v11;
	v11 =	vor.u32 $0x18, v3;
	v9 =	vld.idx.msk [tilespmem:v14+s19+$0x0], $0xffff  }
0xdc: {  	v14 =	vor.u32 $0x18, v2;
	v13 =	vld.idx.msk [tilespmem:v13+s17+$0x0], $0xffff  }
0xdd: {  	v4 =	vadd.f32 v5, v4;
	v5 =	vmul.f32 v6, v7;
	v7 =	vor.u32 $0x19, v3;
	v6 =	vld.idx.msk [tilespmem:v16+s19+$0x0], $0xffff  }
0xde: {  	v16 =	vor.u32 $0x19, v2;
	v15 =	vld.idx.msk [tilespmem:v15+s17+$0x0], $0xffff  }
0xdf: {  	v4 =	vadd.f32 v5, v4;
	v5 =	vmul.f32 v8, v10;
	v10 =	vor.u32 $0x1A, v3;
	v8 =	vld.idx.msk [tilespmem:v17+s19+$0x0], $0xffff  }
0xe0: {  	v17 =	vor.u32 $0x1A, v2;
	v11 =	vld.idx.msk [tilespmem:v11+s17+$0x0], $0xffff  }
0xe1: {  	v4 =	vadd.f32 v5, v4;
	v5 =	vmul.f32 v9, v12;
	v12 =	vor.u32 $0x1B, v3;
	v9 =	vld.idx.msk [tilespmem:v14+s19+$0x0], $0xffff  }
0xe2: {  	v14 =	vor.u32 $0x1B, v2;
	v7 =	vld.idx.msk [tilespmem:v7+s17+$0x0], $0xffff  }
0xe3: {  	v4 =	vadd.f32 v5, v4;
	v5 =	vmul.f32 v6, v13;
	v13 =	vor.u32 $0x1C, v3;
	v6 =	vld.idx.msk [tilespmem:v16+s19+$0x0], $0xffff  }
0xe4: {  	v16 =	vor.u32 $0x1C, v2;
	v10 =	vld.idx.msk [tilespmem:v10+s17+$0x0], $0xffff  }
0xe5: {  	v4 =	vadd.f32 v5, v4;
	v5 =	vmul.f32 v8, v15;
	v15 =	vor.u32 $0x1D, v3;
	v8 =	vld.idx.msk [tilespmem:v17+s19+$0x0], $0xffff  }
0xe6: {  	v17 =	vor.u32 $0x1D, v2;
	v12 =	vld.idx.msk [tilespmem:v12+s17+$0x0], $0xffff  }
0xe7: {  	v4 =	vadd.f32 v5, v4;
	v5 =	vmul.f32 v9, v11;
	v11 =	vor.u32 $0x1E, v3;
	v9 =	vld.idx.msk [tilespmem:v14+s19+$0x0], $0xffff  }
0xe8: {  	v14 =	vor.u32 $0x1E, v2;
	v13 =	vld.idx.msk [tilespmem:v13+s17+$0x0], $0xffff  }
0xe9: {  	v3 =	vor.u32 $0x1F, v3;
	v4 =	vadd.f32 v5, v4;
	v5 =	vmul.f32 v6, v7;
	v6 =	vld.idx.msk [tilespmem:v16+s19+$0x0], $0xffff  }
0xea: {  	v2 =	vor.u32 $0x1F, v2;
	v7 =	vld.idx.msk [tilespmem:v15+s17+$0x0], $0xffff  }
0xeb: {  	v4 =	vadd.f32 v5, v4;
	v5 =	vmul.f32 v8, v10;
	v8 =	vld.idx.msk [tilespmem:v17+s19+$0x0], $0xffff  }
0xec: {  	v10 =	vld.idx.msk [tilespmem:v11+s17+$0x0], $0xffff  }
0xed: {  	v4 =	vadd.f32 v5, v4;
	v5 =	vmul.f32 v9, v12;
	v9 =	vld.idx.msk [tilespmem:v14+s19+$0x0], $0xffff  }
0xee: {  	v3 =	vld.idx.msk [tilespmem:v3+s17+$0x0], $0xffff  }
0xef: {  	v4 =	vadd.f32 v5, v4;
	v5 =	vmul.f32 v6, v13;
	v2 =	vld.idx.msk [tilespmem:v2+s19+$0x0], $0xffff;
	_ =	sdelay $0x1  }
0xf0: {  	v4 =	vadd.f32 v5, v4;
	v5 =	vmul.f32 v8, v7;
	_ =	sdelay $0x1  }
0xf1: {  	v4 =	vadd.f32 v5, v4;
	v5 =	vmul.f32 v9, v10;
	_ =	sdelay $0x1  }
0xf2: {  	v4 =	vadd.f32 v5, v4;
	v2 =	vmul.f32 v2, v3;
	_ =	sdelay $0x1  }
0xf3: {  	v2 =	vadd.f32 v2, v4  }
.Ltmp1:
0xf4: {  	s26 =	sadd.s32 $0x10, s26;
	(pc) =	sbr.rel @p0 .LBB2_4-.Ltmp1, $4  }
0xf5: {  	s31 =	sadd.s32 $0x10, s31;
	[tilespmem:s26+$0x0] =	vst v2  }
0xf6: {  	v3 =	vld [tilespmem:s31+$0x0]  }
0xf7: {  	s29 =	sadd.s32 $0x10, s29  }
0xf8: {  	s30 =	sadd.s32 $0x10, s30;
	v2 =	vld [tilespmem:s29+$0x0]  }
0xf9: {  	v4 =	vmov s28  }
0xfa: {  	v4 =	vshll.u32 v4, $0x7  }
0xfb: {  	vm0 =	vgt.s32 v3, $0x3DFFF;
	vm1 =	vgt.s32 v3, $0x7BFFF;
	vm2 =	vgt.s32 v3, $0xB9FFF  }
0xfc: {  	v3 =	vsel vm0, $0x1, v0;
	v5 =	vsel vm1, $0x1, v0;
	v6 =	vsel vm2, $0x1, v0  }
0xfd: {  	v3 =	vadd.s32 v5, v3;
	vm0 =	vgt.s32 v2, $0x3DFFF;
	vm1 =	vgt.s32 v2, $0x7BFFF  }
0xfe: {  	v5 =	vsel vm0, $0x1, v0;
	v7 =	vsel vm1, $0x1, v0;
	vm0 =	vgt.s32 v2, $0xB9FFF  }
0xff: {  	v2 =	vadd.s32 v6, v3;
	v3 =	vadd.s32 v7, v5;
	v5 =	vsel vm0, $0x1, v0  }
0x100: {  	v4 =	vor.u32 v1, v4;
	v2 =	vshll.u32 v2, $0x5;
	v3 =	vadd.s32 v5, v3  }
0x101: {  	v5 =	vshll.u32 v3, $0x5;
	v3 =	vadd.s32 v4, v2  }
0x102: {  	v2 =	vadd.s32 v4, v5  }
0x103: {  	s24 =	sadd.s32 $0x10, s24;
	v4 =	vor.u32 $0x1, v3  }
0x104: {  	s25 =	sadd.s32 $0x10, s25;
	v7 =	vld [tilespmem:s24+$0x0];
	v6 =	vor.u32 $0x1, v2  }
0x105: {  	v5 =	vld [tilespmem:s25+$0x0];
	v8 =	vor.u32 $0x2, v3  }
0x106: {  	v10 =	vor.u32 $0x2, v2;
	v9 =	vld.idx.msk [tilespmem:v3+s17+$0x0], $0xffff  }
0x107: {  	v12 =	vor.u32 $0x3, v3;
	v11 =	vld.idx.msk [tilespmem:v2+s19+$0x0], $0xffff  }
0x108: {  	v13 =	vor.u32 $0x3, v2;
	v4 =	vld.idx.msk [tilespmem:v4+s17+$0x0], $0xffff  }
0x109: {  	v14 =	vor.u32 $0x4, v3;
	v6 =	vld.idx.msk [tilespmem:v6+s19+$0x0], $0xffff  }
0x10a: {  	v15 =	vor.u32 $0x4, v2;
	v8 =	vld.idx.msk [tilespmem:v8+s17+$0x0], $0xffff  }
0x10b: {  	v16 =	vor.u32 $0x5, v3;
	v10 =	vld.idx.msk [tilespmem:v10+s19+$0x0], $0xffff  }
0x10c: {  	v17 =	vor.u32 $0x5, v2;
	v12 =	vld.idx.msk [tilespmem:v12+s17+$0x0], $0xffff;
	v5 =	vadd.f32 v7, v5;
	v7 =	vmul.f32 v11, v9  }
0x10d: {  	v52 =	vor.u32 $0x6, v2;
	v49 =	vld.idx.msk [tilespmem:v13+s19+$0x0], $0xffff  }
0x10e: {  	v50 =	vor.u32 $0x6, v3;
	v51 =	vld.idx.msk [tilespmem:v14+s17+$0x0], $0xffff;
	v4 =	vmul.f32 v6, v4;
	v5 =	vadd.f32 v7, v5  }
0x10f: {  	v6 =	vld.idx.msk [tilespmem:v15+s19+$0x0], $0xffff;
	v7 =	vor.u32 $0x7, v3  }
0x110: {  	v54 =	vor.u32 $0x7, v2;
	v53 =	vld.idx.msk [tilespmem:v16+s17+$0x0], $0xffff;
	v4 =	vadd.f32 v4, v5;
	v5 =	vmul.f32 v10, v8  }
0x111: {  	v55 =	vor.u32 $0x8, v3;
	v8 =	vld.idx.msk [tilespmem:v17+s19+$0x0], $0xffff  }
0x112: {  	v56 =	vor.u32 $0x8, v2;
	v57 =	vld.idx.msk [tilespmem:v52+s19+$0x0], $0xffff;
	v4 =	vadd.f32 v5, v4;
	v5 =	vmul.f32 v49, v12  }
0x113: {  	v59 =	vor.u32 $0x9, v2;
	v11 =	vld.idx.msk [tilespmem:v50+s17+$0x0], $0xffff  }
0x114: {  	v58 =	vor.u32 $0x9, v3;
	v7 =	vld.idx.msk [tilespmem:v7+s17+$0x0], $0xffff;
	v4 =	vadd.f32 v5, v4;
	v5 =	vmul.f32 v6, v51  }
0x115: {  	v60 =	vor.u32 $0xA, v3;
	v6 =	vld.idx.msk [tilespmem:v54+s19+$0x0], $0xffff  }
0x116: {  	v61 =	vor.u32 $0xA, v2;
	v10 =	vld.idx.msk [tilespmem:v55+s17+$0x0], $0xffff;
	v4 =	vadd.f32 v5, v4;
	v5 =	vmul.f32 v8, v53  }
0x117: {  	v62 =	vor.u32 $0xB, v3;
	v8 =	vld.idx.msk [tilespmem:v56+s19+$0x0], $0xffff  }
0x118: {  	v63 =	vor.u32 $0xB, v2;
	v20 =	vld.idx.msk [tilespmem:v59+s19+$0x0], $0xffff;
	v4 =	vadd.f32 v5, v4;
	v5 =	vmul.f32 v57, v11  }
0x119: {  	v22 =	vor.u32 $0xC, v2;
	v12 =	vld.idx.msk [tilespmem:v58+s17+$0x0], $0xffff  }
0x11a: {  	v21 =	vor.u32 $0xC, v3;
	v13 =	vld.idx.msk [tilespmem:v60+s17+$0x0], $0xffff;
	v4 =	vadd.f32 v5, v4;
	v5 =	vmul.f32 v6, v7  }
0x11b: {  	v6 =	vld.idx.msk [tilespmem:v61+s19+$0x0], $0xffff;
	v7 =	vor.u32 $0xD, v3  }
0x11c: {  	v23 =	vor.u32 $0xD, v2;
	v15 =	vld.idx.msk [tilespmem:v62+s17+$0x0], $0xffff;
	v4 =	vadd.f32 v5, v4;
	v5 =	vmul.f32 v8, v10  }
0x11d: {  	v24 =	vor.u32 $0xE, v3;
	v8 =	vld.idx.msk [tilespmem:v63+s19+$0x0], $0xffff  }
0x11e: {  	v25 =	vor.u32 $0xE, v2;
	v26 =	vld.idx.msk [tilespmem:v22+s19+$0x0], $0xffff;
	v4 =	vadd.f32 v5, v4;
	v5 =	vmul.f32 v20, v12  }
0x11f: {  	v28 =	vor.u32 $0xF, v2;
	v11 =	vld.idx.msk [tilespmem:v21+s17+$0x0], $0xffff  }
0x120: {  	v27 =	vor.u32 $0xF, v3;
	v7 =	vld.idx.msk [tilespmem:v7+s17+$0x0], $0xffff;
	v4 =	vadd.f32 v5, v4;
	v5 =	vmul.f32 v6, v13  }
0x121: {  	v29 =	vor.u32 $0x10, v3;
	v6 =	vld.idx.msk [tilespmem:v23+s19+$0x0], $0xffff  }
0x122: {  	v30 =	vor.u32 $0x10, v2;
	v10 =	vld.idx.msk [tilespmem:v24+s17+$0x0], $0xffff;
	v4 =	vadd.f32 v5, v4;
	v5 =	vmul.f32 v8, v15  }
0x123: {  	v31 =	vor.u32 $0x11, v3;
	v8 =	vld.idx.msk [tilespmem:v25+s19+$0x0], $0xffff  }
0x124: {  	v32 =	vor.u32 $0x11, v2;
	v33 =	vld.idx.msk [tilespmem:v28+s19+$0x0], $0xffff;
	v4 =	vadd.f32 v5, v4;
	v5 =	vmul.f32 v26, v11  }
0x125: {  	v35 =	vor.u32 $0x12, v2;
	v12 =	vld.idx.msk [tilespmem:v27+s17+$0x0], $0xffff  }
0x126: {  	v34 =	vor.u32 $0x12, v3;
	v13 =	vld.idx.msk [tilespmem:v29+s17+$0x0], $0xffff;
	v4 =	vadd.f32 v5, v4;
	v5 =	vmul.f32 v6, v7  }
0x127: {  	v6 =	vld.idx.msk [tilespmem:v30+s19+$0x0], $0xffff;
	v7 =	vor.u32 $0x13, v3  }
0x128: {  	v36 =	vor.u32 $0x13, v2;
	v15 =	vld.idx.msk [tilespmem:v31+s17+$0x0], $0xffff;
	v4 =	vadd.f32 v5, v4;
	v5 =	vmul.f32 v8, v10  }
0x129: {  	v37 =	vor.u32 $0x14, v3;
	v8 =	vld.idx.msk [tilespmem:v32+s19+$0x0], $0xffff  }
0x12a: {  	v38 =	vor.u32 $0x14, v2;
	v39 =	vld.idx.msk [tilespmem:v35+s19+$0x0], $0xffff;
	v4 =	vadd.f32 v5, v4;
	v5 =	vmul.f32 v33, v12  }
0x12b: {  	v41 =	vor.u32 $0x15, v2;
	v11 =	vld.idx.msk [tilespmem:v34+s17+$0x0], $0xffff  }
0x12c: {  	v40 =	vor.u32 $0x15, v3;
	v7 =	vld.idx.msk [tilespmem:v7+s17+$0x0], $0xffff;
	v4 =	vadd.f32 v5, v4;
	v5 =	vmul.f32 v6, v13  }
0x12d: {  	v42 =	vor.u32 $0x16, v3;
	v6 =	vld.idx.msk [tilespmem:v36+s19+$0x0], $0xffff  }
0x12e: {  	v43 =	vor.u32 $0x16, v2;
	v10 =	vld.idx.msk [tilespmem:v37+s17+$0x0], $0xffff;
	v4 =	vadd.f32 v5, v4;
	v5 =	vmul.f32 v8, v15  }
0x12f: {  	v44 =	vor.u32 $0x17, v3;
	v8 =	vld.idx.msk [tilespmem:v38+s19+$0x0], $0xffff  }
0x130: {  	v45 =	vor.u32 $0x17, v2;
	v46 =	vld.idx.msk [tilespmem:v41+s19+$0x0], $0xffff;
	v4 =	vadd.f32 v5, v4;
	v5 =	vmul.f32 v39, v11  }
0x131: {  	v48 =	vor.u32 $0x18, v2;
	v12 =	vld.idx.msk [tilespmem:v40+s17+$0x0], $0xffff  }
0x132: {  	v47 =	vor.u32 $0x18, v3;
	v13 =	vld.idx.msk [tilespmem:v42+s17+$0x0], $0xffff;
	v4 =	vadd.f32 v5, v4;
	v5 =	vmul.f32 v6, v7  }
0x133: {  	v6 =	vld.idx.msk [tilespmem:v43+s19+$0x0], $0xffff;
	v7 =	vor.u32 $0x19, v3  }
0x134: {  	v49 =	vor.u32 $0x19, v2;
	v15 =	vld.idx.msk [tilespmem:v44+s17+$0x0], $0xffff;
	v4 =	vadd.f32 v5, v4;
	v5 =	vmul.f32 v8, v10  }
0x135: {  	v50 =	vor.u32 $0x1A, v3;
	v8 =	vld.idx.msk [tilespmem:v45+s19+$0x0], $0xffff  }
0x136: {  	v52 =	vld.idx.msk [tilespmem:v48+s19+$0x0], $0xffff;
	v51 =	vor.u32 $0x1A, v2;
	v4 =	vadd.f32 v5, v4;
	v5 =	vmul.f32 v46, v12  }
0x137: {  	v54 =	vor.u32 $0x1B, v2;
	v11 =	vld.idx.msk [tilespmem:v47+s17+$0x0], $0xffff  }
0x138: {  	v53 =	vor.u32 $0x1B, v3;
	v7 =	vld.idx.msk [tilespmem:v7+s17+$0x0], $0xffff;
	v4 =	vadd.f32 v5, v4;
	v5 =	vmul.f32 v6, v13  }
0x139: {  	v55 =	vor.u32 $0x1C, v3;
	v6 =	vld.idx.msk [tilespmem:v49+s19+$0x0], $0xffff  }
0x13a: {  	v56 =	vor.u32 $0x1C, v2;
	v10 =	vld.idx.msk [tilespmem:v50+s17+$0x0], $0xffff;
	v4 =	vadd.f32 v5, v4;
	v5 =	vmul.f32 v8, v15  }
0x13b: {  	v57 =	vor.u32 $0x1D, v3;
	v8 =	vld.idx.msk [tilespmem:v51+s19+$0x0], $0xffff  }
0x13c: {  	v58 =	vor.u32 $0x1D, v2;
	v59 =	vld.idx.msk [tilespmem:v54+s19+$0x0], $0xffff;
	v4 =	vadd.f32 v5, v4;
	v5 =	vmul.f32 v52, v11  }
0x13d: {  	v60 =	vor.u32 $0x1E, v3;
	v12 =	vld.idx.msk [tilespmem:v53+s17+$0x0], $0xffff  }
0x13e: {  	v61 =	vor.u32 $0x1E, v2;
	v13 =	vld.idx.msk [tilespmem:v55+s17+$0x0], $0xffff;
	v4 =	vadd.f32 v5, v4;
	v5 =	vmul.f32 v6, v7  }
0x13f: {  	v2 =	vor.u32 $0x1F, v2;
	v6 =	vld.idx.msk [tilespmem:v56+s19+$0x0], $0xffff  }
0x140: {  	v3 =	vor.u32 $0x1F, v3;
	v7 =	vld.idx.msk [tilespmem:v57+s17+$0x0], $0xffff;
	v4 =	vadd.f32 v5, v4;
	v5 =	vmul.f32 v8, v10  }
0x141: {  	v8 =	vld.idx.msk [tilespmem:v58+s19+$0x0], $0xffff  }
0x142: {  	v62 =	vld.idx.msk [tilespmem:v60+s17+$0x0], $0xffff;
	v4 =	vadd.f32 v5, v4;
	v5 =	vmul.f32 v59, v12  }
0x143: {  	v63 =	vld.idx.msk [tilespmem:v61+s19+$0x0], $0xffff  }
0x144: {  	v2 =	vld.idx.msk [tilespmem:v2+s19+$0x0], $0xffff;
	v4 =	vadd.f32 v5, v4;
	v5 =	vmul.f32 v6, v13  }
0x145: {  	v3 =	vld.idx.msk [tilespmem:v3+s17+$0x0], $0xffff  }
0x146: {  	v4 =	vadd.f32 v5, v4;
	v5 =	vmul.f32 v8, v7;
	_ =	sdelay $0x1  }
0x147: {  	v4 =	vadd.f32 v5, v4;
	v5 =	vmul.f32 v63, v62;
	_ =	sdelay $0x1  }
0x148: {  	v2 =	vmul.f32 v2, v3;
	v4 =	vadd.f32 v5, v4;
	_ =	sdelay $0x1  }
0x149: {  	v2 =	vadd.f32 v2, v4  }
0x14a: {  	s31 =	sadd.s32 $0x10, s26  }
0x14b: {  	s25 =	simm.s32 $0x0;
	[tilespmem:s31+$0x0] =	vst v2  }
0x14c: {  	v4 =	vld [tilespmem:s25+$0x300];
	_ =	sdelay $0x1  }
0x14d: {  	v3 =	vld [tilespmem:s25+$0x100];
	_ =	sdelay $0x2  }
0x14e: {  	vm0 =	vgt.s32 v4, $0x3DFFF;
	vm1 =	vgt.s32 v4, $0x7BFFF  }
0x14f: {  	v5 =	vsel vm0, $0x1, v0;
	v6 =	vsel vm1, $0x1, v0;
	vm0 =	vgt.s32 v4, $0xB9FFF  }
0x150: {  	vm1 =	vgt.s32 v3, $0x3DFFF;
	v5 =	vadd.s32 v6, v5;
	v6 =	vsel vm0, $0x1, v0  }
0x151: {  	s24 =	simm.s32 $0x10;
	v7 =	vsel vm1, $0x1, v0;
	vm0 =	vgt.s32 v3, $0x7BFFF;
	v5 =	vadd.s32 v6, v5  }
0x152: {  	v2 =	vld [tilespmem:s24+$0x300];
	v6 =	vsel vm0, $0x1, v0;
	vm0 =	vgt.s32 v3, $0xB9FFF;
	v5 =	vmul.u32 $0xFFFC2000, v5  }
0x153: {  	v6 =	vadd.s32 v6, v7;
	v7 =	vsel vm0, $0x1, v0  }
0x154: {  	v6 =	vadd.s32 v7, v6;
	v7 =	vadd.s32 v4, v5;
	v4 =	vld [tilespmem:s24+$0x100];
	_ =	sdelay $0x2  }
0x155: {  	vm1 =	vgt.s32 v2, $0x7BFFF;
	vm0 =	vgt.s32 v2, $0x3DFFF;
	v5 =	vmul.u32 $0xFFFC2000, v6  }
0x156: {  	s26 =	simm.s32 $0x20;
	s28 =	simm.s32 $0xC0;
	v6 =	vsel vm0, $0x1, v0;
	vm0 =	vgt.s32 v2, $0xB9FFF;
	[tilespmem:s25+$0x500] =	vst v7;
	v7 =	vsel vm1, $0x1, v0  }
.LBB2_6:
0x157: {  	p0 =	sne.s32 s28, $0x3C0;
	v8 =	vld [tilespmem:s26+$0x300];
	vm1 =	vgt.s32 v4, $0x3DFFF;
	v6 =	vadd.s32 v7, v6;
	v7 =	vsel vm0, $0x1, v0  }
0x158: {  	vm0 =	vgt.s32 v4, $0x7BFFF;
	v9 =	vld [tilespmem:s26+$0x100];
	v10 =	vsel vm1, $0x1, v0;
	v6 =	vadd.s32 v7, v6  }
.Ltmp2:
0x159: {  	v7 =	vsel vm0, $0x1, v0;
	vm0 =	vgt.s32 v4, $0xB9FFF;
	v6 =	vmul.u32 $0xFFFC2000, v6;
	(pc) =	sbr.rel @p0 .LBB2_6-.Ltmp2, $4  }
0x15a: {  	v5 =	vadd.s32 v3, v5;
	v3 =	vmovc v4;
	v7 =	vadd.s32 v7, v10;
	v10 =	vsel vm0, $0x1, v0  }
0x15b: {  	v10 =	vadd.s32 v10, v7;
	v6 =	vadd.s32 v2, v6;
	[tilespmem:s25+$0x400] =	vst v5;
	s25 =	smov.u32 s24;
	s24 =	smov.u32 s26  }
0x15c: {  	v5 =	vmul.u32 $0xFFFC2000, v10;
	vm0 =	vgt.s32 v8, $0x3DFFF;
	vm1 =	vgt.s32 v8, $0x7BFFF;
	[tilespmem:s25+$0x500] =	vst v6;
	v2 =	vmovc v8  }
0x15d: {  	s26 =	sshra.s32 s28, $0x2;
	s28 =	sadd.s32 $0x40, s28;
	v6 =	vsel vm0, $0x1, v0;
	v7 =	vsel vm1, $0x1, v0;
	vm0 =	vgt.s32 v2, $0xB9FFF;
	v4 =	vmovc v9  }
0x15e: {  	v8 =	vld [tilespmem:s26+$0x300];
	vm1 =	vgt.s32 v4, $0x3DFFF;
	v6 =	vadd.s32 v7, v6;
	vm15 =	vgt.s32 v4, $0x7BFFF  }
0x15f: {  	v9 =	vld [tilespmem:s26+$0x100];
	vm4 =	vgt.s32 v4, $0xB9FFF;
	v10 =	vsel vm1, $0x1, v0;
	v52 =	vsel vm15, $0x1, v0  }
0x160: {  	v51 =	vsel vm0, $0x1, v0;
	v53 =	vsel vm4, $0x1, v0;
	v7 =	vadd.s32 v52, v10  }
0x161: {  	v3 =	vadd.s32 v3, v5;
	v6 =	vadd.s32 v51, v6;
	v5 =	vadd.s32 v53, v7  }
0x162: {  	v6 =	vmul.u32 $0xFFFC2000, v6;
	v5 =	vmul.u32 $0xFFFC2000, v5  }
0x163: {  	vm5 =	vgt.s32 v8, $0x3DFFF;
	vm6 =	vgt.s32 v8, $0x7BFFF;
	vm7 =	vgt.s32 v8, $0xB9FFF  }
0x164: {  	vm8 =	vgt.s32 v9, $0x3DFFF;
	vm9 =	vgt.s32 v9, $0x7BFFF;
	vm10 =	vgt.s32 v9, $0xB9FFF  }
0x165: {  	v54 =	vsel vm5, $0x1, v0;
	v55 =	vsel vm6, $0x1, v0;
	v56 =	vsel vm7, $0x1, v0  }
0x166: {  	v11 =	vsel vm8, $0x1, v0;
	v12 =	vsel vm9, $0x1, v0;
	v7 =	vadd.s32 v55, v54  }
0x167: {  	v58 =	vsel vm10, $0x1, v0;
	v57 =	vadd.s32 v12, v11;
	v7 =	vadd.s32 v56, v7  }
0x168: {  	[tilespmem:s25+$0x400] =	vst v3;
	v2 =	vadd.s32 v2, v6;
	v59 =	vadd.s32 v58, v57;
	v3 =	vmul.u32 $0xFFFC2000, v7  }
0x169: {  	[tilespmem:s24+$0x500] =	vst v2;
	v2 =	vadd.s32 v4, v5;
	v4 =	vmul.u32 $0xFFFC2000, v59  }
0x16a: {  	[tilespmem:s24+$0x400] =	vst v2;
	v3 =	vadd.s32 v8, v3  }
0x16b: {  	v2 =	vadd.s32 v9, v4;
	[tilespmem:s26+$0x500] =	vst v3  }
0x16c: {  	[tilespmem:s26+$0x400] =	vst v2;
	s26 =	simm.s32 $0x100  }
0x16d: {  	[tilespmem:s17], [sflag:$0x1] =	stream.indirect.gather [hbm4b:s4+s26], $0x80, s16, s26, $0xb8;
	[tilespmem:$0x10C00] =	vst v63  }
0x16e: {  	_ = 	snop  }
0x16f: {  	[tilespmem:s19], [sflag:$0x1] =	stream.indirect.gather [hbm4b:s5+s26], $0x80, s18, s26, $0xb8;
	[tilespmem:$0x10C00] =	vst v63  }
0x170: {  	_ =	swait.ge [sflag:s20], $0x8000  }
0x171: {  	[sflag:s20] =	ssyncset.done $0x0  }
0x172: {  	[sflag:s20] =	ssyncadd.s32 $0xFFFF8000  }
0x173: {  	_ =	swait.ge [sflag:s20], $0x8000  }
0x174: {  	[sflag:s20] =	ssyncset.done $0x0  }
0x175: {  	[sflag:s20] =	ssyncadd.s32 $0xFFFF8000  }
0x176: {  	s25 =	simm.s32 $0x300;
	v2 =	vld [tilespmem:s26+$0x0]  }
0x177: {  	v3 =	vld [tilespmem:s25+$0x0]  }
0x178: {  	s26 =	simm.s32 $0x0  }
0x179: {  	v4 =	vmov s26  }
0x17a: {  	v4 =	vshll.u32 v4, $0x7  }
0x17b: {  	vm11 =	vgt.s32 v2, $0x3DFFF;
	vm12 =	vgt.s32 v2, $0x7BFFF;
	vm2 =	vgt.s32 v2, $0xB9FFF  }
0x17c: {  	vm13 =	vgt.s32 v3, $0x3DFFF;
	vm14 =	vgt.s32 v3, $0x7BFFF;
	vm15 =	vgt.s32 v3, $0xB9FFF  }
0x17d: {  	v2 =	vsel vm11, $0x1, v0;
	v5 =	vsel vm12, $0x1, v0;
	v60 =	vsel vm2, $0x1, v0  }
0x17e: {  	v61 =	vsel vm14, $0x1, v0;
	v2 =	vadd.s32 v5, v2;
	v5 =	vsel vm13, $0x1, v0  }
0x17f: {  	v2 =	vadd.s32 v60, v2;
	v3 =	vadd.s32 v61, v5;
	v5 =	vsel vm15, $0x1, v0  }
0x180: {  	v4 =	vor.u32 v1, v4;
	v2 =	vshll.u32 v2, $0x5;
	v3 =	vadd.s32 v5, v3  }
0x181: {  	v5 =	vshll.u32 v3, $0x5;
	v3 =	vadd.s32 v4, v2  }
0x182: {  	v2 =	vadd.s32 v4, v5  }
0x183: {  	s24 =	simm.s32 $0x10900;
	v4 =	vor.u32 $0x1, v3  }
0x184: {  	s25 =	simm.s32 $0x10700;
	v63 =	vld [tilespmem:s24+$0x0];
	v62 =	vor.u32 $0x1, v2  }
0x185: {  	v5 =	vld [tilespmem:s25+$0x0];
	v20 =	vor.u32 $0x2, v3  }
0x186: {  	v22 =	vor.u32 $0x2, v2;
	v21 =	vld.idx.msk [tilespmem:v3+s17+$0x0], $0xffff  }
0x187: {  	v24 =	vor.u32 $0x3, v3;
	v23 =	vld.idx.msk [tilespmem:v2+s19+$0x0], $0xffff  }
0x188: {  	v13 =	vor.u32 $0x3, v2;
	v4 =	vld.idx.msk [tilespmem:v4+s17+$0x0], $0xffff  }
0x189: {  	v14 =	vor.u32 $0x4, v3;
	v6 =	vld.idx.msk [tilespmem:v62+s19+$0x0], $0xffff  }
0x18a: {  	v15 =	vor.u32 $0x4, v2;
	v8 =	vld.idx.msk [tilespmem:v20+s17+$0x0], $0xffff  }
0x18b: {  	v16 =	vor.u32 $0x5, v3;
	v10 =	vld.idx.msk [tilespmem:v22+s19+$0x0], $0xffff  }
0x18c: {  	v17 =	vor.u32 $0x5, v2;
	v12 =	vld.idx.msk [tilespmem:v24+s17+$0x0], $0xffff;
	v5 =	vadd.f32 v63, v5;
	v25 =	vmul.f32 v23, v21  }
0x18d: {  	v27 =	vor.u32 $0x6, v3;
	v26 =	vld.idx.msk [tilespmem:v13+s19+$0x0], $0xffff  }
0x18e: {  	v29 =	vor.u32 $0x6, v2;
	v28 =	vld.idx.msk [tilespmem:v14+s17+$0x0], $0xffff;
	v4 =	vmul.f32 v6, v4;
	v5 =	vadd.f32 v25, v5  }
0x18f: {  	v31 =	vor.u32 $0x7, v3;
	v30 =	vld.idx.msk [tilespmem:v15+s19+$0x0], $0xffff  }
0x190: {  	v33 =	vor.u32 $0x7, v2;
	v32 =	vld.idx.msk [tilespmem:v16+s17+$0x0], $0xffff;
	v4 =	vadd.f32 v4, v5;
	v5 =	vmul.f32 v10, v8  }
0x191: {  	v36 =	vor.u32 $0x8, v2;
	v34 =	vld.idx.msk [tilespmem:v17+s19+$0x0], $0xffff  }
0x192: {  	v35 =	vor.u32 $0x8, v3;
	v11 =	vld.idx.msk [tilespmem:v27+s17+$0x0], $0xffff;
	v4 =	vadd.f32 v5, v4;
	v5 =	vmul.f32 v26, v12  }
0x193: {  	v39 =	vor.u32 $0x9, v2;
	v37 =	vld.idx.msk [tilespmem:v29+s19+$0x0], $0xffff  }
0x194: {  	v38 =	vor.u32 $0x9, v3;
	v7 =	vld.idx.msk [tilespmem:v31+s17+$0x0], $0xffff;
	v4 =	vadd.f32 v5, v4;
	v5 =	vmul.f32 v30, v28  }
0x195: {  	v41 =	vor.u32 $0xA, v3;
	v40 =	vld.idx.msk [tilespmem:v33+s19+$0x0], $0xffff  }
0x196: {  	v42 =	vor.u32 $0xA, v2;
	v43 =	vld.idx.msk [tilespmem:v36+s19+$0x0], $0xffff;
	v4 =	vadd.f32 v5, v4;
	v5 =	vmul.f32 v34, v32  }
0x197: {  	v44 =	vor.u32 $0xB, v3;
	v10 =	vld.idx.msk [tilespmem:v35+s17+$0x0], $0xffff  }
0x198: {  	v45 =	vor.u32 $0xB, v2;
	v46 =	vld.idx.msk [tilespmem:v39+s19+$0x0], $0xffff;
	v4 =	vadd.f32 v5, v4;
	v5 =	vmul.f32 v37, v11  }
0x199: {  	v48 =	vor.u32 $0xC, v2;
	v12 =	vld.idx.msk [tilespmem:v38+s17+$0x0], $0xffff  }
0x19a: {  	v47 =	vor.u32 $0xC, v3;
	v13 =	vld.idx.msk [tilespmem:v41+s17+$0x0], $0xffff;
	v4 =	vadd.f32 v5, v4;
	v5 =	vmul.f32 v40, v7  }
0x19b: {  	v51 =	vor.u32 $0xD, v2;
	v49 =	vld.idx.msk [tilespmem:v42+s19+$0x0], $0xffff  }
0x19c: {  	v50 =	vor.u32 $0xD, v3;
	v15 =	vld.idx.msk [tilespmem:v44+s17+$0x0], $0xffff;
	v4 =	vadd.f32 v5, v4;
	v5 =	vmul.f32 v43, v10  }
0x19d: {  	v54 =	vor.u32 $0xE, v2;
	v52 =	vld.idx.msk [tilespmem:v45+s19+$0x0], $0xffff  }
0x19e: {  	v53 =	vor.u32 $0xE, v3;
	v55 =	vld.idx.msk [tilespmem:v48+s19+$0x0], $0xffff;
	v4 =	vadd.f32 v5, v4;
	v5 =	vmul.f32 v46, v12  }
0x19f: {  	v57 =	vor.u32 $0xF, v2;
	v11 =	vld.idx.msk [tilespmem:v47+s17+$0x0], $0xffff  }
0x1a0: {  	v56 =	vor.u32 $0xF, v3;
	v58 =	vld.idx.msk [tilespmem:v51+s19+$0x0], $0xffff;
	v4 =	vadd.f32 v5, v4;
	v5 =	vmul.f32 v49, v13  }
0x1a1: {  	v60 =	vor.u32 $0x10, v2;
	v7 =	vld.idx.msk [tilespmem:v50+s17+$0x0], $0xffff  }
0x1a2: {  	v59 =	vor.u32 $0x10, v3;
	v61 =	vld.idx.msk [tilespmem:v54+s19+$0x0], $0xffff;
	v4 =	vadd.f32 v5, v4;
	v5 =	vmul.f32 v52, v15  }
0x1a3: {  	v63 =	vor.u32 $0x11, v2;
	v10 =	vld.idx.msk [tilespmem:v53+s17+$0x0], $0xffff  }
0x1a4: {  	v62 =	vor.u32 $0x11, v3;
	v20 =	vld.idx.msk [tilespmem:v57+s19+$0x0], $0xffff;
	v4 =	vadd.f32 v5, v4;
	v5 =	vmul.f32 v55, v11  }
0x1a5: {  	v22 =	vor.u32 $0x12, v2;
	v12 =	vld.idx.msk [tilespmem:v56+s17+$0x0], $0xffff  }
0x1a6: {  	v21 =	vor.u32 $0x12, v3;
	v23 =	vld.idx.msk [tilespmem:v60+s19+$0x0], $0xffff;
	v4 =	vadd.f32 v5, v4;
	v5 =	vmul.f32 v58, v7  }
0x1a7: {  	v25 =	vor.u32 $0x13, v2;
	v13 =	vld.idx.msk [tilespmem:v59+s17+$0x0], $0xffff  }
0x1a8: {  	v24 =	vor.u32 $0x13, v3;
	v26 =	vld.idx.msk [tilespmem:v63+s19+$0x0], $0xffff;
	v4 =	vadd.f32 v5, v4;
	v5 =	vmul.f32 v61, v10  }
0x1a9: {  	v28 =	vor.u32 $0x14, v2;
	v15 =	vld.idx.msk [tilespmem:v62+s17+$0x0], $0xffff  }
0x1aa: {  	v27 =	vor.u32 $0x14, v3;
	v29 =	vld.idx.msk [tilespmem:v22+s19+$0x0], $0xffff;
	v4 =	vadd.f32 v5, v4;
	v5 =	vmul.f32 v20, v12  }
0x1ab: {  	v31 =	vor.u32 $0x15, v2;
	v11 =	vld.idx.msk [tilespmem:v21+s17+$0x0], $0xffff  }
0x1ac: {  	v30 =	vor.u32 $0x15, v3;
	v32 =	vld.idx.msk [tilespmem:v25+s19+$0x0], $0xffff;
	v4 =	vadd.f32 v5, v4;
	v5 =	vmul.f32 v23, v13  }
0x1ad: {  	v34 =	vor.u32 $0x16, v2;
	v7 =	vld.idx.msk [tilespmem:v24+s17+$0x0], $0xffff  }
0x1ae: {  	v33 =	vor.u32 $0x16, v3;
	v35 =	vld.idx.msk [tilespmem:v28+s19+$0x0], $0xffff;
	v4 =	vadd.f32 v5, v4;
	v5 =	vmul.f32 v26, v15  }
0x1af: {  	v37 =	vor.u32 $0x17, v2;
	v10 =	vld.idx.msk [tilespmem:v27+s17+$0x0], $0xffff  }
0x1b0: {  	v36 =	vor.u32 $0x17, v3;
	v38 =	vld.idx.msk [tilespmem:v31+s19+$0x0], $0xffff;
	v4 =	vadd.f32 v5, v4;
	v5 =	vmul.f32 v29, v11  }
0x1b1: {  	v40 =	vor.u32 $0x18, v2;
	v12 =	vld.idx.msk [tilespmem:v30+s17+$0x0], $0xffff  }
0x1b2: {  	v39 =	vor.u32 $0x18, v3;
	v41 =	vld.idx.msk [tilespmem:v34+s19+$0x0], $0xffff;
	v4 =	vadd.f32 v5, v4;
	v5 =	vmul.f32 v32, v7  }
0x1b3: {  	v43 =	vor.u32 $0x19, v2;
	v13 =	vld.idx.msk [tilespmem:v33+s17+$0x0], $0xffff  }
0x1b4: {  	v42 =	vor.u32 $0x19, v3;
	v44 =	vld.idx.msk [tilespmem:v37+s19+$0x0], $0xffff;
	v4 =	vadd.f32 v5, v4;
	v5 =	vmul.f32 v35, v10  }
0x1b5: {  	v46 =	vor.u32 $0x1A, v2;
	v15 =	vld.idx.msk [tilespmem:v36+s17+$0x0], $0xffff  }
0x1b6: {  	v45 =	vor.u32 $0x1A, v3;
	v47 =	vld.idx.msk [tilespmem:v40+s19+$0x0], $0xffff;
	v4 =	vadd.f32 v5, v4;
	v5 =	vmul.f32 v38, v12  }
0x1b7: {  	v49 =	vor.u32 $0x1B, v2;
	v11 =	vld.idx.msk [tilespmem:v39+s17+$0x0], $0xffff  }
0x1b8: {  	v48 =	vor.u32 $0x1B, v3;
	v50 =	vld.idx.msk [tilespmem:v43+s19+$0x0], $0xffff;
	v4 =	vadd.f32 v5, v4;
	v5 =	vmul.f32 v41, v13  }
0x1b9: {  	v52 =	vor.u32 $0x1C, v2;
	v7 =	vld.idx.msk [tilespmem:v42+s17+$0x0], $0xffff  }
0x1ba: {  	v51 =	vor.u32 $0x1C, v3;
	v53 =	vld.idx.msk [tilespmem:v46+s19+$0x0], $0xffff;
	v4 =	vadd.f32 v5, v4;
	v5 =	vmul.f32 v44, v15  }
0x1bb: {  	v54 =	vor.u32 $0x1D, v3;
	v10 =	vld.idx.msk [tilespmem:v45+s17+$0x0], $0xffff  }
0x1bc: {  	v55 =	vor.u32 $0x1D, v2;
	v56 =	vld.idx.msk [tilespmem:v49+s19+$0x0], $0xffff;
	v4 =	vadd.f32 v5, v4;
	v5 =	vmul.f32 v47, v11  }
0x1bd: {  	v57 =	vor.u32 $0x1E, v3;
	v12 =	vld.idx.msk [tilespmem:v48+s17+$0x0], $0xffff  }
0x1be: {  	v58 =	vor.u32 $0x1E, v2;
	v59 =	vld.idx.msk [tilespmem:v52+s19+$0x0], $0xffff;
	v4 =	vadd.f32 v5, v4;
	v5 =	vmul.f32 v50, v7  }
0x1bf: {  	v3 =	vor.u32 $0x1F, v3;
	v13 =	vld.idx.msk [tilespmem:v51+s17+$0x0], $0xffff  }
0x1c0: {  	v60 =	vld.idx.msk [tilespmem:v54+s17+$0x0], $0xffff;
	v2 =	vor.u32 $0x1F, v2;
	v4 =	vadd.f32 v5, v4;
	v5 =	vmul.f32 v53, v10  }
0x1c1: {  	v61 =	vld.idx.msk [tilespmem:v55+s19+$0x0], $0xffff  }
0x1c2: {  	v62 =	vld.idx.msk [tilespmem:v57+s17+$0x0], $0xffff;
	v4 =	vadd.f32 v5, v4;
	v5 =	vmul.f32 v56, v12  }
0x1c3: {  	v63 =	vld.idx.msk [tilespmem:v58+s19+$0x0], $0xffff  }
0x1c4: {  	v3 =	vld.idx.msk [tilespmem:v3+s17+$0x0], $0xffff;
	v4 =	vadd.f32 v5, v4;
	v5 =	vmul.f32 v59, v13  }
0x1c5: {  	v2 =	vld.idx.msk [tilespmem:v2+s19+$0x0], $0xffff  }
0x1c6: {  	v4 =	vadd.f32 v5, v4;
	v5 =	vmul.f32 v61, v60;
	_ =	sdelay $0x1  }
0x1c7: {  	v4 =	vadd.f32 v5, v4;
	v5 =	vmul.f32 v63, v62;
	_ =	sdelay $0x1  }
0x1c8: {  	v2 =	vmul.f32 v2, v3;
	v4 =	vadd.f32 v5, v4;
	_ =	sdelay $0x1  }
0x1c9: {  	v2 =	vadd.f32 v2, v4  }
0x1ca: {  	s26 =	simm.s32 $0x10B00  }
0x1cb: {  	s28 =	simm.s32 $0x110;
	[tilespmem:s26+$0x0] =	vst v2  }
0x1cc: {  	v3 =	vld [tilespmem:s28+$0x0]  }
0x1cd: {  	s29 =	simm.s32 $0x310  }
0x1ce: {  	s30 =	simm.s32 $0x10;
	s31 =	simm.s32 $0x20;
	v2 =	vld [tilespmem:s29+$0x0]  }
.LBB2_8:
0x1cf: {  	p0 =	sne.s32 s31, $0xF0;
	v4 =	vmov s30;
	s30 =	smov.u32 s31  }
0x1d0: {  	v4 =	vshll.u32 v4, $0x7  }
0x1d1: {  	vm0 =	vgt.s32 v3, $0x3DFFF;
	vm1 =	vgt.s32 v3, $0x7BFFF;
	vm2 =	vgt.s32 v3, $0xB9FFF  }
0x1d2: {  	v3 =	vsel vm0, $0x1, v0;
	v5 =	vsel vm1, $0x1, v0;
	v6 =	vsel vm2, $0x1, v0  }
0x1d3: {  	v3 =	vadd.s32 v5, v3;
	vm0 =	vgt.s32 v2, $0x3DFFF;
	vm1 =	vgt.s32 v2, $0x7BFFF  }
0x1d4: {  	v5 =	vsel vm0, $0x1, v0;
	v7 =	vsel vm1, $0x1, v0;
	vm0 =	vgt.s32 v2, $0xB9FFF  }
0x1d5: {  	v2 =	vadd.s32 v6, v3;
	v3 =	vadd.s32 v7, v5;
	v5 =	vsel vm0, $0x1, v0  }
0x1d6: {  	v4 =	vor.u32 v1, v4;
	v2 =	vshll.u32 v2, $0x5;
	v3 =	vadd.s32 v5, v3  }
0x1d7: {  	v5 =	vshll.u32 v3, $0x5;
	v3 =	vadd.s32 v4, v2  }
0x1d8: {  	v2 =	vadd.s32 v4, v5  }
0x1d9: {  	s25 =	sadd.s32 $0x10, s25;
	v4 =	vor.u32 $0x1, v3  }
0x1da: {  	s24 =	sadd.s32 $0x10, s24;
	v6 =	vor.u32 $0x1, v2;
	v5 =	vld [tilespmem:s25+$0x0]  }
0x1db: {  	v8 =	vor.u32 $0x2, v3;
	v7 =	vld [tilespmem:s24+$0x0]  }
0x1dc: {  	v10 =	vor.u32 $0x2, v2;
	v9 =	vld.idx.msk [tilespmem:v3+s17+$0x0], $0xffff  }
0x1dd: {  	v12 =	vor.u32 $0x3, v3;
	v11 =	vld.idx.msk [tilespmem:v2+s19+$0x0], $0xffff  }
0x1de: {  	v13 =	vor.u32 $0x3, v2;
	v4 =	vld.idx.msk [tilespmem:v4+s17+$0x0], $0xffff  }
0x1df: {  	v14 =	vor.u32 $0x4, v3;
	v6 =	vld.idx.msk [tilespmem:v6+s19+$0x0], $0xffff  }
0x1e0: {  	v15 =	vor.u32 $0x4, v2;
	v8 =	vld.idx.msk [tilespmem:v8+s17+$0x0], $0xffff  }
0x1e1: {  	v16 =	vor.u32 $0x5, v3;
	v10 =	vld.idx.msk [tilespmem:v10+s19+$0x0], $0xffff  }
0x1e2: {  	v17 =	vor.u32 $0x5, v2;
	v12 =	vld.idx.msk [tilespmem:v12+s17+$0x0], $0xffff  }
0x1e3: {  	v5 =	vadd.f32 v7, v5;
	v7 =	vmul.f32 v11, v9;
	v11 =	vor.u32 $0x6, v3;
	v9 =	vld.idx.msk [tilespmem:v13+s19+$0x0], $0xffff  }
0x1e4: {  	v13 =	vld.idx.msk [tilespmem:v14+s17+$0x0], $0xffff;
	v14 =	vor.u32 $0x6, v2  }
0x1e5: {  	v5 =	vadd.f32 v7, v5;
	v4 =	vmul.f32 v6, v4;
	v7 =	vor.u32 $0x7, v3;
	v6 =	vld.idx.msk [tilespmem:v15+s19+$0x0], $0xffff  }
0x1e6: {  	v15 =	vld.idx.msk [tilespmem:v16+s17+$0x0], $0xffff;
	v16 =	vor.u32 $0x7, v2  }
0x1e7: {  	v4 =	vadd.f32 v4, v5;
	v5 =	vmul.f32 v10, v8;
	v10 =	vor.u32 $0x8, v3;
	v8 =	vld.idx.msk [tilespmem:v17+s19+$0x0], $0xffff  }
0x1e8: {  	v17 =	vor.u32 $0x8, v2;
	v11 =	vld.idx.msk [tilespmem:v11+s17+$0x0], $0xffff  }
0x1e9: {  	v4 =	vadd.f32 v5, v4;
	v5 =	vmul.f32 v9, v12;
	v12 =	vor.u32 $0x9, v3;
	v9 =	vld.idx.msk [tilespmem:v14+s19+$0x0], $0xffff  }
0x1ea: {  	v14 =	vor.u32 $0x9, v2;
	v7 =	vld.idx.msk [tilespmem:v7+s17+$0x0], $0xffff  }
0x1eb: {  	v4 =	vadd.f32 v5, v4;
	v5 =	vmul.f32 v6, v13;
	v13 =	vor.u32 $0xA, v3;
	v6 =	vld.idx.msk [tilespmem:v16+s19+$0x0], $0xffff  }
0x1ec: {  	v16 =	vor.u32 $0xA, v2;
	v10 =	vld.idx.msk [tilespmem:v10+s17+$0x0], $0xffff  }
0x1ed: {  	v4 =	vadd.f32 v5, v4;
	v5 =	vmul.f32 v8, v15;
	v15 =	vor.u32 $0xB, v3;
	v8 =	vld.idx.msk [tilespmem:v17+s19+$0x0], $0xffff  }
0x1ee: {  	v17 =	vor.u32 $0xB, v2;
	v12 =	vld.idx.msk [tilespmem:v12+s17+$0x0], $0xffff  }
0x1ef: {  	v4 =	vadd.f32 v5, v4;
	v5 =	vmul.f32 v9, v11;
	v11 =	vor.u32 $0xC, v3;
	v9 =	vld.idx.msk [tilespmem:v14+s19+$0x0], $0xffff  }
0x1f0: {  	v14 =	vor.u32 $0xC, v2;
	v13 =	vld.idx.msk [tilespmem:v13+s17+$0x0], $0xffff  }
0x1f1: {  	v4 =	vadd.f32 v5, v4;
	v5 =	vmul.f32 v6, v7;
	v7 =	vor.u32 $0xD, v3;
	v6 =	vld.idx.msk [tilespmem:v16+s19+$0x0], $0xffff  }
0x1f2: {  	v16 =	vor.u32 $0xD, v2;
	v15 =	vld.idx.msk [tilespmem:v15+s17+$0x0], $0xffff  }
0x1f3: {  	v4 =	vadd.f32 v5, v4;
	v5 =	vmul.f32 v8, v10;
	v10 =	vor.u32 $0xE, v3;
	v8 =	vld.idx.msk [tilespmem:v17+s19+$0x0], $0xffff  }
0x1f4: {  	v17 =	vor.u32 $0xE, v2;
	v11 =	vld.idx.msk [tilespmem:v11+s17+$0x0], $0xffff  }
0x1f5: {  	v4 =	vadd.f32 v5, v4;
	v5 =	vmul.f32 v9, v12;
	v12 =	vor.u32 $0xF, v3;
	v9 =	vld.idx.msk [tilespmem:v14+s19+$0x0], $0xffff  }
0x1f6: {  	v14 =	vor.u32 $0xF, v2;
	v7 =	vld.idx.msk [tilespmem:v7+s17+$0x0], $0xffff  }
0x1f7: {  	v4 =	vadd.f32 v5, v4;
	v5 =	vmul.f32 v6, v13;
	v13 =	vor.u32 $0x10, v3;
	v6 =	vld.idx.msk [tilespmem:v16+s19+$0x0], $0xffff  }
0x1f8: {  	v16 =	vor.u32 $0x10, v2;
	v10 =	vld.idx.msk [tilespmem:v10+s17+$0x0], $0xffff  }
0x1f9: {  	v4 =	vadd.f32 v5, v4;
	v5 =	vmul.f32 v8, v15;
	v15 =	vor.u32 $0x11, v3;
	v8 =	vld.idx.msk [tilespmem:v17+s19+$0x0], $0xffff  }
0x1fa: {  	v17 =	vor.u32 $0x11, v2;
	v12 =	vld.idx.msk [tilespmem:v12+s17+$0x0], $0xffff  }
0x1fb: {  	v4 =	vadd.f32 v5, v4;
	v5 =	vmul.f32 v9, v11;
	v11 =	vor.u32 $0x12, v3;
	v9 =	vld.idx.msk [tilespmem:v14+s19+$0x0], $0xffff  }
0x1fc: {  	v14 =	vor.u32 $0x12, v2;
	v13 =	vld.idx.msk [tilespmem:v13+s17+$0x0], $0xffff  }
0x1fd: {  	v4 =	vadd.f32 v5, v4;
	v5 =	vmul.f32 v6, v7;
	v7 =	vor.u32 $0x13, v3;
	v6 =	vld.idx.msk [tilespmem:v16+s19+$0x0], $0xffff  }
0x1fe: {  	v16 =	vor.u32 $0x13, v2;
	v15 =	vld.idx.msk [tilespmem:v15+s17+$0x0], $0xffff  }
0x1ff: {  	v4 =	vadd.f32 v5, v4;
	v5 =	vmul.f32 v8, v10;
	v10 =	vor.u32 $0x14, v3;
	v8 =	vld.idx.msk [tilespmem:v17+s19+$0x0], $0xffff  }
0x200: {  	v17 =	vor.u32 $0x14, v2;
	v11 =	vld.idx.msk [tilespmem:v11+s17+$0x0], $0xffff  }
0x201: {  	v4 =	vadd.f32 v5, v4;
	v5 =	vmul.f32 v9, v12;
	v12 =	vor.u32 $0x15, v3;
	v9 =	vld.idx.msk [tilespmem:v14+s19+$0x0], $0xffff  }
0x202: {  	v14 =	vor.u32 $0x15, v2;
	v7 =	vld.idx.msk [tilespmem:v7+s17+$0x0], $0xffff  }
0x203: {  	v4 =	vadd.f32 v5, v4;
	v5 =	vmul.f32 v6, v13;
	v13 =	vor.u32 $0x16, v3;
	v6 =	vld.idx.msk [tilespmem:v16+s19+$0x0], $0xffff  }
0x204: {  	v16 =	vor.u32 $0x16, v2;
	v10 =	vld.idx.msk [tilespmem:v10+s17+$0x0], $0xffff  }
0x205: {  	v4 =	vadd.f32 v5, v4;
	v5 =	vmul.f32 v8, v15;
	v15 =	vor.u32 $0x17, v3;
	v8 =	vld.idx.msk [tilespmem:v17+s19+$0x0], $0xffff  }
0x206: {  	v17 =	vor.u32 $0x17, v2;
	v12 =	vld.idx.msk [tilespmem:v12+s17+$0x0], $0xffff  }
0x207: {  	v4 =	vadd.f32 v5, v4;
	v5 =	vmul.f32 v9, v11;
	v11 =	vor.u32 $0x18, v3;
	v9 =	vld.idx.msk [tilespmem:v14+s19+$0x0], $0xffff  }
0x208: {  	v14 =	vor.u32 $0x18, v2;
	v13 =	vld.idx.msk [tilespmem:v13+s17+$0x0], $0xffff  }
0x209: {  	v4 =	vadd.f32 v5, v4;
	v5 =	vmul.f32 v6, v7;
	v7 =	vor.u32 $0x19, v3;
	v6 =	vld.idx.msk [tilespmem:v16+s19+$0x0], $0xffff  }
0x20a: {  	v16 =	vor.u32 $0x19, v2;
	v15 =	vld.idx.msk [tilespmem:v15+s17+$0x0], $0xffff  }
0x20b: {  	v4 =	vadd.f32 v5, v4;
	v5 =	vmul.f32 v8, v10;
	v10 =	vor.u32 $0x1A, v3;
	v8 =	vld.idx.msk [tilespmem:v17+s19+$0x0], $0xffff  }
0x20c: {  	v17 =	vor.u32 $0x1A, v2;
	v11 =	vld.idx.msk [tilespmem:v11+s17+$0x0], $0xffff  }
0x20d: {  	v4 =	vadd.f32 v5, v4;
	v5 =	vmul.f32 v9, v12;
	v12 =	vor.u32 $0x1B, v3;
	v9 =	vld.idx.msk [tilespmem:v14+s19+$0x0], $0xffff  }
0x20e: {  	v14 =	vor.u32 $0x1B, v2;
	v7 =	vld.idx.msk [tilespmem:v7+s17+$0x0], $0xffff  }
0x20f: {  	v4 =	vadd.f32 v5, v4;
	v5 =	vmul.f32 v6, v13;
	v13 =	vor.u32 $0x1C, v3;
	v6 =	vld.idx.msk [tilespmem:v16+s19+$0x0], $0xffff  }
0x210: {  	v16 =	vor.u32 $0x1C, v2;
	v10 =	vld.idx.msk [tilespmem:v10+s17+$0x0], $0xffff  }
0x211: {  	v4 =	vadd.f32 v5, v4;
	v5 =	vmul.f32 v8, v15;
	v15 =	vor.u32 $0x1D, v3;
	v8 =	vld.idx.msk [tilespmem:v17+s19+$0x0], $0xffff  }
0x212: {  	v17 =	vor.u32 $0x1D, v2;
	v12 =	vld.idx.msk [tilespmem:v12+s17+$0x0], $0xffff  }
0x213: {  	v4 =	vadd.f32 v5, v4;
	v5 =	vmul.f32 v9, v11;
	v11 =	vor.u32 $0x1E, v3;
	v9 =	vld.idx.msk [tilespmem:v14+s19+$0x0], $0xffff  }
0x214: {  	v14 =	vor.u32 $0x1E, v2;
	v13 =	vld.idx.msk [tilespmem:v13+s17+$0x0], $0xffff  }
0x215: {  	v3 =	vor.u32 $0x1F, v3;
	v4 =	vadd.f32 v5, v4;
	v5 =	vmul.f32 v6, v7;
	v6 =	vld.idx.msk [tilespmem:v16+s19+$0x0], $0xffff  }
0x216: {  	v2 =	vor.u32 $0x1F, v2;
	v7 =	vld.idx.msk [tilespmem:v15+s17+$0x0], $0xffff  }
0x217: {  	v4 =	vadd.f32 v5, v4;
	v5 =	vmul.f32 v8, v10;
	v8 =	vld.idx.msk [tilespmem:v17+s19+$0x0], $0xffff  }
0x218: {  	v10 =	vld.idx.msk [tilespmem:v11+s17+$0x0], $0xffff  }
0x219: {  	v4 =	vadd.f32 v5, v4;
	v5 =	vmul.f32 v9, v12;
	v9 =	vld.idx.msk [tilespmem:v14+s19+$0x0], $0xffff  }
0x21a: {  	v3 =	vld.idx.msk [tilespmem:v3+s17+$0x0], $0xffff  }
0x21b: {  	v4 =	vadd.f32 v5, v4;
	v5 =	vmul.f32 v6, v13;
	v2 =	vld.idx.msk [tilespmem:v2+s19+$0x0], $0xffff;
	_ =	sdelay $0x1  }
0x21c: {  	v4 =	vadd.f32 v5, v4;
	v5 =	vmul.f32 v8, v7;
	_ =	sdelay $0x1  }
0x21d: {  	v4 =	vadd.f32 v5, v4;
	v5 =	vmul.f32 v9, v10;
	_ =	sdelay $0x1  }
0x21e: {  	v4 =	vadd.f32 v5, v4;
	v2 =	vmul.f32 v2, v3;
	_ =	sdelay $0x1  }
0x21f: {  	v2 =	vadd.f32 v2, v4  }
.Ltmp3:
0x220: {  	s26 =	sadd.s32 $0x10, s26;
	(pc) =	sbr.rel @p0 .LBB2_8-.Ltmp3, $4  }
0x221: {  	s28 =	sadd.s32 $0x10, s28;
	[tilespmem:s26+$0x0] =	vst v2  }
0x222: {  	v3 =	vld [tilespmem:s28+$0x0]  }
0x223: {  	s29 =	sadd.s32 $0x10, s29  }
0x224: {  	s31 =	sadd.s32 $0x10, s31;
	v2 =	vld [tilespmem:s29+$0x0]  }
0x225: {  	v4 =	vmov s30  }
0x226: {  	v4 =	vshll.u32 v4, $0x7  }
0x227: {  	vm0 =	vgt.s32 v3, $0x3DFFF;
	vm1 =	vgt.s32 v3, $0x7BFFF;
	vm2 =	vgt.s32 v3, $0xB9FFF  }
0x228: {  	v3 =	vsel vm0, $0x1, v0;
	v5 =	vsel vm1, $0x1, v0;
	v6 =	vsel vm2, $0x1, v0  }
0x229: {  	v3 =	vadd.s32 v5, v3;
	vm13 =	vgt.s32 v2, $0x3DFFF;
	vm14 =	vgt.s32 v2, $0x7BFFF  }
0x22a: {  	vm15 =	vgt.s32 v2, $0xB9FFF;
	v34 =	vsel vm13, $0x1, v0;
	v7 =	vsel vm14, $0x1, v0  }
0x22b: {  	v2 =	vadd.s32 v6, v3;
	v35 =	vsel vm15, $0x1, v0;
	v3 =	vadd.s32 v7, v34  }
0x22c: {  	v4 =	vor.u32 v1, v4;
	v2 =	vshll.u32 v2, $0x5;
	v3 =	vadd.s32 v35, v3  }
0x22d: {  	v5 =	vshll.u32 v3, $0x5;
	v3 =	vadd.s32 v4, v2  }
0x22e: {  	v2 =	vadd.s32 v4, v5  }
0x22f: {  	s25 =	sadd.s32 $0x10, s25;
	v36 =	vor.u32 $0x1, v3  }
0x230: {  	s24 =	sadd.s32 $0x10, s24;
	v37 =	vld [tilespmem:s25+$0x0];
	v38 =	vor.u32 $0x1, v2  }
0x231: {  	v39 =	vld [tilespmem:s24+$0x0];
	v8 =	vor.u32 $0x2, v3  }
0x232: {  	v10 =	vor.u32 $0x2, v2;
	v9 =	vld.idx.msk [tilespmem:v3+s17+$0x0], $0xffff  }
0x233: {  	v12 =	vor.u32 $0x3, v3;
	v11 =	vld.idx.msk [tilespmem:v2+s19+$0x0], $0xffff  }
0x234: {  	v13 =	vor.u32 $0x3, v2;
	v4 =	vld.idx.msk [tilespmem:v36+s17+$0x0], $0xffff  }
0x235: {  	v14 =	vor.u32 $0x4, v3;
	v6 =	vld.idx.msk [tilespmem:v38+s19+$0x0], $0xffff  }
0x236: {  	v15 =	vor.u32 $0x4, v2;
	v8 =	vld.idx.msk [tilespmem:v8+s17+$0x0], $0xffff  }
0x237: {  	v16 =	vor.u32 $0x5, v3;
	v10 =	vld.idx.msk [tilespmem:v10+s19+$0x0], $0xffff  }
0x238: {  	v5 =	vadd.f32 v39, v37;
	v17 =	vor.u32 $0x5, v2;
	v12 =	vld.idx.msk [tilespmem:v12+s17+$0x0], $0xffff;
	v40 =	vmul.f32 v11, v9  }
0x239: {  	v44 =	vor.u32 $0x6, v2;
	v41 =	vld.idx.msk [tilespmem:v13+s19+$0x0], $0xffff  }
0x23a: {  	v42 =	vor.u32 $0x6, v3;
	v43 =	vld.idx.msk [tilespmem:v14+s17+$0x0], $0xffff;
	v4 =	vmul.f32 v6, v4;
	v5 =	vadd.f32 v40, v5  }
0x23b: {  	v46 =	vor.u32 $0x7, v3;
	v45 =	vld.idx.msk [tilespmem:v15+s19+$0x0], $0xffff  }
0x23c: {  	v48 =	vor.u32 $0x7, v2;
	v47 =	vld.idx.msk [tilespmem:v16+s17+$0x0], $0xffff;
	v49 =	vmul.f32 v10, v8;
	v4 =	vadd.f32 v4, v5  }
0x23d: {  	v52 =	vor.u32 $0x8, v2;
	v50 =	vld.idx.msk [tilespmem:v17+s19+$0x0], $0xffff  }
0x23e: {  	v51 =	vor.u32 $0x8, v3;
	v54 =	vld.idx.msk [tilespmem:v44+s19+$0x0], $0xffff;
	v53 =	vmul.f32 v41, v12;
	v4 =	vadd.f32 v49, v4  }
0x23f: {  	v56 =	vor.u32 $0x9, v2;
	v11 =	vld.idx.msk [tilespmem:v42+s17+$0x0], $0xffff  }
0x240: {  	v55 =	vor.u32 $0x9, v3;
	v7 =	vld.idx.msk [tilespmem:v46+s17+$0x0], $0xffff;
	v57 =	vmul.f32 v45, v43;
	v4 =	vadd.f32 v53, v4  }
0x241: {  	v59 =	vor.u32 $0xA, v3;
	v58 =	vld.idx.msk [tilespmem:v48+s19+$0x0], $0xffff  }
0x242: {  	v60 =	vor.u32 $0xA, v2;
	v62 =	vld.idx.msk [tilespmem:v52+s19+$0x0], $0xffff;
	v61 =	vmul.f32 v50, v47;
	v4 =	vadd.f32 v57, v4  }
0x243: {  	v63 =	vor.u32 $0xB, v3;
	v10 =	vld.idx.msk [tilespmem:v51+s17+$0x0], $0xffff  }
0x244: {  	v20 =	vor.u32 $0xB, v2;
	v22 =	vld.idx.msk [tilespmem:v56+s19+$0x0], $0xffff;
	v21 =	vmul.f32 v54, v11;
	v4 =	vadd.f32 v61, v4  }
0x245: {  	v24 =	vor.u32 $0xC, v2;
	v12 =	vld.idx.msk [tilespmem:v55+s17+$0x0], $0xffff  }
0x246: {  	v23 =	vor.u32 $0xC, v3;
	v13 =	vld.idx.msk [tilespmem:v59+s17+$0x0], $0xffff;
	v25 =	vmul.f32 v58, v7;
	v4 =	vadd.f32 v21, v4  }
0x247: {  	v28 =	vor.u32 $0xD, v2;
	v26 =	vld.idx.msk [tilespmem:v60+s19+$0x0], $0xffff  }
0x248: {  	v27 =	vor.u32 $0xD, v3;
	v15 =	vld.idx.msk [tilespmem:v63+s17+$0x0], $0xffff;
	v29 =	vmul.f32 v62, v10;
	v4 =	vadd.f32 v25, v4  }
0x249: {  	v32 =	vor.u32 $0xE, v2;
	v30 =	vld.idx.msk [tilespmem:v20+s19+$0x0], $0xffff  }
0x24a: {  	v31 =	vor.u32 $0xE, v3;
	v34 =	vld.idx.msk [tilespmem:v24+s19+$0x0], $0xffff;
	v33 =	vmul.f32 v22, v12;
	v4 =	vadd.f32 v29, v4  }
0x24b: {  	v36 =	vor.u32 $0xF, v2;
	v11 =	vld.idx.msk [tilespmem:v23+s17+$0x0], $0xffff  }
0x24c: {  	v35 =	vor.u32 $0xF, v3;
	v38 =	vld.idx.msk [tilespmem:v28+s19+$0x0], $0xffff;
	v37 =	vmul.f32 v26, v13;
	v4 =	vadd.f32 v33, v4  }
0x24d: {  	v39 =	vor.u32 $0x10, v3;
	v7 =	vld.idx.msk [tilespmem:v27+s17+$0x0], $0xffff  }
0x24e: {  	v42 =	vld.idx.msk [tilespmem:v32+s19+$0x0], $0xffff;
	v41 =	vmul.f32 v30, v15;
	v40 =	vor.u32 $0x10, v2;
	v4 =	vadd.f32 v37, v4  }
0x24f: {  	v44 =	vor.u32 $0x11, v2;
	v10 =	vld.idx.msk [tilespmem:v31+s17+$0x0], $0xffff  }
0x250: {  	v46 =	vld.idx.msk [tilespmem:v36+s19+$0x0], $0xffff;
	v43 =	vor.u32 $0x11, v3;
	v45 =	vmul.f32 v34, v11;
	v4 =	vadd.f32 v41, v4  }
0x251: {  	v48 =	vor.u32 $0x12, v2;
	v12 =	vld.idx.msk [tilespmem:v35+s17+$0x0], $0xffff  }
0x252: {  	v47 =	vor.u32 $0x12, v3;
	v13 =	vld.idx.msk [tilespmem:v39+s17+$0x0], $0xffff;
	v49 =	vmul.f32 v38, v7;
	v4 =	vadd.f32 v45, v4  }
0x253: {  	v51 =	vor.u32 $0x13, v3;
	v50 =	vld.idx.msk [tilespmem:v40+s19+$0x0], $0xffff  }
0x254: {  	v52 =	vor.u32 $0x13, v2;
	v54 =	vld.idx.msk [tilespmem:v44+s19+$0x0], $0xffff;
	v53 =	vmul.f32 v42, v10;
	v4 =	vadd.f32 v49, v4  }
0x255: {  	v56 =	vor.u32 $0x14, v2;
	v15 =	vld.idx.msk [tilespmem:v43+s17+$0x0], $0xffff  }
0x256: {  	v55 =	vor.u32 $0x14, v3;
	v58 =	vld.idx.msk [tilespmem:v48+s19+$0x0], $0xffff;
	v57 =	vmul.f32 v46, v12;
	v4 =	vadd.f32 v53, v4  }
0x257: {  	v60 =	vor.u32 $0x15, v2;
	v11 =	vld.idx.msk [tilespmem:v47+s17+$0x0], $0xffff  }
0x258: {  	v59 =	vor.u32 $0x15, v3;
	v7 =	vld.idx.msk [tilespmem:v51+s17+$0x0], $0xffff;
	v61 =	vmul.f32 v50, v13;
	v4 =	vadd.f32 v57, v4  }
0x259: {  	v20 =	vor.u32 $0x16, v2;
	v62 =	vld.idx.msk [tilespmem:v52+s19+$0x0], $0xffff  }
0x25a: {  	v63 =	vor.u32 $0x16, v3;
	v22 =	vld.idx.msk [tilespmem:v56+s19+$0x0], $0xffff;
	v21 =	vmul.f32 v54, v15;
	v4 =	vadd.f32 v61, v4  }
0x25b: {  	v24 =	vor.u32 $0x17, v2;
	v10 =	vld.idx.msk [tilespmem:v55+s17+$0x0], $0xffff  }
0x25c: {  	v26 =	vld.idx.msk [tilespmem:v60+s19+$0x0], $0xffff;
	v23 =	vor.u32 $0x17, v3;
	v25 =	vmul.f32 v58, v11;
	v4 =	vadd.f32 v21, v4  }
0x25d: {  	v28 =	vor.u32 $0x18, v2;
	v12 =	vld.idx.msk [tilespmem:v59+s17+$0x0], $0xffff  }
0x25e: {  	v27 =	vor.u32 $0x18, v3;
	v30 =	vld.idx.msk [tilespmem:v20+s19+$0x0], $0xffff;
	v29 =	vmul.f32 v62, v7;
	v4 =	vadd.f32 v25, v4  }
0x25f: {  	v32 =	vor.u32 $0x19, v2;
	v13 =	vld.idx.msk [tilespmem:v63+s17+$0x0], $0xffff  }
0x260: {  	v31 =	vor.u32 $0x19, v3;
	v34 =	vld.idx.msk [tilespmem:v24+s19+$0x0], $0xffff;
	v33 =	vmul.f32 v22, v10;
	v4 =	vadd.f32 v29, v4  }
0x261: {  	v36 =	vor.u32 $0x1A, v2;
	v15 =	vld.idx.msk [tilespmem:v23+s17+$0x0], $0xffff  }
0x262: {  	v35 =	vor.u32 $0x1A, v3;
	v38 =	vld.idx.msk [tilespmem:v28+s19+$0x0], $0xffff;
	v37 =	vmul.f32 v26, v12;
	v4 =	vadd.f32 v33, v4  }
0x263: {  	v40 =	vor.u32 $0x1B, v2;
	v11 =	vld.idx.msk [tilespmem:v27+s17+$0x0], $0xffff  }
0x264: {  	v39 =	vor.u32 $0x1B, v3;
	v42 =	vld.idx.msk [tilespmem:v32+s19+$0x0], $0xffff;
	v41 =	vmul.f32 v30, v13;
	v4 =	vadd.f32 v37, v4  }
0x265: {  	v44 =	vor.u32 $0x1C, v2;
	v7 =	vld.idx.msk [tilespmem:v31+s17+$0x0], $0xffff  }
0x266: {  	v43 =	vor.u32 $0x1C, v3;
	v46 =	vld.idx.msk [tilespmem:v36+s19+$0x0], $0xffff;
	v45 =	vmul.f32 v34, v15;
	v4 =	vadd.f32 v41, v4  }
0x267: {  	v47 =	vor.u32 $0x1D, v3;
	v10 =	vld.idx.msk [tilespmem:v35+s17+$0x0], $0xffff  }
0x268: {  	v48 =	vor.u32 $0x1D, v2;
	v50 =	vld.idx.msk [tilespmem:v40+s19+$0x0], $0xffff;
	v49 =	vmul.f32 v38, v11;
	v4 =	vadd.f32 v45, v4  }
0x269: {  	v52 =	vor.u32 $0x1E, v2;
	v12 =	vld.idx.msk [tilespmem:v39+s17+$0x0], $0xffff  }
0x26a: {  	v51 =	vor.u32 $0x1E, v3;
	v54 =	vld.idx.msk [tilespmem:v44+s19+$0x0], $0xffff;
	v53 =	vmul.f32 v42, v7;
	v4 =	vadd.f32 v49, v4  }
0x26b: {  	v2 =	vor.u32 $0x1F, v2;
	v13 =	vld.idx.msk [tilespmem:v43+s17+$0x0], $0xffff  }
0x26c: {  	v3 =	vor.u32 $0x1F, v3;
	v55 =	vld.idx.msk [tilespmem:v47+s17+$0x0], $0xffff;
	v56 =	vmul.f32 v46, v10;
	v4 =	vadd.f32 v53, v4  }
0x26d: {  	v57 =	vld.idx.msk [tilespmem:v48+s19+$0x0], $0xffff  }
0x26e: {  	v60 =	vld.idx.msk [tilespmem:v52+s19+$0x0], $0xffff;
	v59 =	vmul.f32 v50, v12;
	v4 =	vadd.f32 v56, v4  }
0x26f: {  	v58 =	vld.idx.msk [tilespmem:v51+s17+$0x0], $0xffff  }
0x270: {  	v2 =	vld.idx.msk [tilespmem:v2+s19+$0x0], $0xffff;
	v61 =	vmul.f32 v54, v13;
	v4 =	vadd.f32 v59, v4  }
0x271: {  	v3 =	vld.idx.msk [tilespmem:v3+s17+$0x0], $0xffff  }
0x272: {  	v62 =	vmul.f32 v57, v55;
	v4 =	vadd.f32 v61, v4;
	_ =	sdelay $0x1  }
0x273: {  	v63 =	vmul.f32 v60, v58;
	v4 =	vadd.f32 v62, v4;
	_ =	sdelay $0x1  }
0x274: {  	v2 =	vmul.f32 v2, v3;
	v4 =	vadd.f32 v63, v4;
	_ =	sdelay $0x1  }
0x275: {  	s23 =	sadd.s32 $0x1, s23;
	v2 =	vadd.f32 v2, v4  }
0x276: {  	s31 =	sadd.s32 $0x10, s26;
	p0 =	sne.s32 s23, s10  }
.Ltmp4:
0x277: {  	[tilespmem:s31+$0x0] =	vst v2;
	(pc) =	sbr.rel @p0 .LBB2_1-.Ltmp4, $4  }
0x278: {  	[hbm4b:s9+s2] =	stream.linear.scatter [tilespmem:s22], [sflag:$0x3], $0x200, $0x38;
	[tilespmem:$0x10C00] =	vst v63  }
0x279: {  	_ =	swait.ge [sflag:s11], $0x200  }
0x27a: {  	[sflag:s11] =	ssyncset.done $0x0  }
0x27b: {  	[sflag:s11] =	ssyncadd.s32 $0xFFFFFE00  }
0x27c: {  	_ =	sfence.sel $0x180000  }
0x27d: {  	[bflag:$0x0] =	sbarrier.arrive $0xFFFF  }
0x27e: {  	p0 =	sne.s32 s3, $0x0;
	_ =	strace $0x90000047  }
0x27f: {  	s0 =	sadd.s32 @!p0 $0x100000, s0;
	[bflag:$0x2] =	sbarrier.arrive $0xFFFF  }
0x280: {  	[sflag:s0] =	ssyncadd.tile.s32 @!p0 $0x1;
	_ =	shalt  }
.Lfunc_end2:
_tile_overlayer_lowered:
.L_overlay_start_2:
0x281: {  	(tag) =	ssettag $0x2  }
0x282: {  	s0 =	rddreg [dreg:$0x0];
	s2 =	stileid.u32  }
0x283: {  	s1 =	rddreg [dreg:$0x1];
	p0 =	sne.s32 s2, $0x0  }
0x284: {  	s3 =	rddreg [dreg:$0x2];
	[bflag:$0x3] =	sbarrier.arrive $0xFFFF;
	s2 =	simm.s32 @!p0 $0x1C03  }
0x285: {  	[timem:s3], [sflag:s2] =	dma.local @!p0 [hbm:s0], s1  }
0x286: {  	s0 =	simm.s32 @!p0 $0x3  }
0x287: {  	_ =	swait.ge @!p0 [sflag:s0], s1  }
0x288: {  	s1 =	ssub.s32 @!p0 $0x0, s1;
	[sflag:s0] =	ssyncset.done @!p0 $0x0  }
0x289: {  	[sflag:s0] =	ssyncadd.s32 @!p0 s1  }
0x28a: {  	[bflag:$0x3] =	sbarrier.arrive $0xFFFF  }
0x28b: {  	_ =	shalt  }

</sc_bundles>
